<compile_context>
chip_gen: v7x
topology: tpu7x:2x2x1
jax: 0.10.2.dev20260603
libtpu: 0.0.44.dev20260713+nightly
codegen_flags: <defaults>
</compile_context>

<pallas_src>
import functools

import jax
import jax.numpy as jnp
from jax import lax
from jax.experimental import pallas as pl
from jax.experimental.pallas import tpu as pltpu
from jax.experimental.pallas import tpu_sc as plsc

N_PAD = 10240
CHUNK = 125
ROWS = 2560
E_RAW = 320000
RPW = ROWS // 32
NCORES = 2
NSUB = 16
STRIPE = N_PAD // NSUB

_mesh = plsc.VectorSubcoreMesh(
    core_axis_name="c", subcore_axis_name="s", num_cores=NCORES, num_subcores=NSUB
)


@functools.partial(
    pl.kernel,
    out_type=jax.ShapeDtypeStruct((NCORES * N_PAD,), jnp.float32),
    mesh=_mesh,
    scratch_types=[
        pltpu.VMEM((128,), jnp.float32),
        pltpu.VMEM((STRIPE,), jnp.float32),
        pltpu.VMEM((RPW, CHUNK), jnp.int32),
        pltpu.SemaphoreType.DMA,
        pltpu.VMEM_SHARED((N_PAD,), jnp.float32),
    ],
)
def _deg_kernel(e3_hbm, out_hbm, ones_v, zbuf_v, idx_v, sem, degsh):
    cid = lax.axis_index("c")
    sid = lax.axis_index("s")

    def fill_ones(i, carry):
        ones_v[pl.ds(i * 16, 16)] = jnp.ones((16,), jnp.float32)
        return carry

    lax.fori_loop(0, 128 // 16, fill_ones, 0)

    def fill_zeros(i, carry):
        zbuf_v[pl.ds(i * 16, 16)] = jnp.zeros((16,), jnp.float32)
        return carry

    lax.fori_loop(0, STRIPE // 16, fill_zeros, 0)

    pltpu.sync_copy(zbuf_v, degsh.at[pl.ds(sid * STRIPE, STRIPE)])
    base = cid * (NSUB * RPW) + sid * RPW
    pltpu.sync_copy(e3_hbm.at[0, pl.ds(base, RPW)], idx_v)
    plsc.subcore_barrier()

    def edge_body(j, carry):
        pltpu.async_copy(
            ones_v.at[pl.ds(0, CHUNK)], degsh.at[idx_v.at[j]], sem, add=True
        )
        return carry

    lax.fori_loop(0, RPW, edge_body, 0)

    def drain_body(j, carry):
        pltpu.make_async_copy(
            ones_v.at[pl.ds(0, CHUNK)], degsh.at[idx_v.at[j]], sem
        ).wait()
        return carry

    lax.fori_loop(0, RPW, drain_body, 0)
    plsc.subcore_barrier()
    pltpu.sync_copy(
        degsh.at[pl.ds(sid * STRIPE, STRIPE)],
        out_hbm.at[pl.ds(cid * N_PAD + sid * STRIPE, STRIPE)],
    )


ZR = 64
IB = 40


@functools.partial(
    pl.kernel,
    out_type=jax.ShapeDtypeStruct((NCORES * N_PAD, 128), jnp.float32),
    mesh=_mesh,
    scratch_types=[
        pltpu.VMEM((IB, CHUNK), jnp.int32),
        pltpu.VMEM((IB, CHUNK), jnp.int32),
        pltpu.VMEM((CHUNK, 128), jnp.float32),
        pltpu.VMEM((CHUNK, 128), jnp.float32),
        pltpu.SemaphoreType.DMA,
        pltpu.SemaphoreType.DMA,
        pltpu.VMEM_SHARED((N_PAD, 128), jnp.float32),
    ],
)
def _agg_kernel(hs_hbm, e3_hbm, out_hbm, idxs_v, idxd_v, rows0,
                rows1, sem0, sem1, msgsh):
    cid = lax.axis_index("c")
    sid = lax.axis_index("s")
    base = cid * (NSUB * RPW) + sid * RPW

    pltpu.async_copy(e3_hbm.at[0, pl.ds(base, IB)], idxs_v, sem0)
    pltpu.async_copy(e3_hbm.at[1, pl.ds(base, IB)], idxd_v, sem1)

    def fill_zeros(i, carry):
        r = i // 8
        k = i % 8
        rows0[r, pl.ds(k * 16, 16)] = jnp.zeros((16,), jnp.float32)
        return carry

    lax.fori_loop(0, ZR * 8, fill_zeros, 0)

    def zero_body(t, carry):
        pltpu.sync_copy(
            rows0.at[pl.ds(0, ZR)], msgsh.at[pl.ds(sid * STRIPE + t * ZR, ZR)]
        )
        return carry

    lax.fori_loop(0, STRIPE // ZR, zero_body, 0)
    plsc.subcore_barrier()

    for bi in range(RPW // IB):
        if bi == 0:
            pltpu.make_async_copy(
                e3_hbm.at[0, pl.ds(base, IB)], idxs_v, sem0
            ).wait()
            pltpu.make_async_copy(
                e3_hbm.at[1, pl.ds(base, IB)], idxd_v, sem1
            ).wait()
        else:
            pltpu.sync_copy(e3_hbm.at[0, pl.ds(base + bi * IB, IB)], idxs_v)
            pltpu.sync_copy(e3_hbm.at[1, pl.ds(base + bi * IB, IB)], idxd_v)
        pltpu.async_copy(hs_hbm.at[idxs_v.at[0]], rows0, sem0)

        def pair_body(p, carry):
            pltpu.async_copy(hs_hbm.at[idxs_v.at[2 * p + 1]], rows1, sem1)
            pltpu.make_async_copy(
                hs_hbm.at[idxs_v.at[2 * p]], rows0, sem0
            ).wait()
            pltpu.sync_copy(rows0, msgsh.at[idxd_v.at[2 * p]], add=True)

            @pl.when(p < IB // 2 - 1)
            def _():
                pltpu.async_copy(hs_hbm.at[idxs_v.at[2 * p + 2]], rows0, sem0)

            pltpu.make_async_copy(
                hs_hbm.at[idxs_v.at[2 * p + 1]], rows1, sem1
            ).wait()
            pltpu.sync_copy(rows1, msgsh.at[idxd_v.at[2 * p + 1]], add=True)
            return carry

        lax.fori_loop(0, IB // 2, pair_body, 0)
    plsc.subcore_barrier()
    pltpu.sync_copy(
        msgsh.at[pl.ds(sid * STRIPE, STRIPE)],
        out_hbm.at[pl.ds(cid * N_PAD + sid * STRIPE, STRIPE)],
    )


N = 10000
BLK = 2000


def _lin_body(x_ref, w_ref, b_ref, r_ref, h_ref, hs_ref):
    h = lax.dot_general(
        x_ref[...], w_ref[...], (((1,), (1,)), ((), ())),
        preferred_element_type=jnp.float32,
    ) + b_ref[...]
    h_ref[...] = h
    hs_ref[...] = h * r_ref[...]


def _lin_call(x_p, W, b2, r_col):
    d_out = W.shape[0]
    return pl.pallas_call(
        _lin_body,
        grid=(N // BLK,),
        in_specs=[
            pl.BlockSpec((BLK, x_p.shape[1]), lambda i: (i, 0)),
            pl.BlockSpec(W.shape, lambda i: (0, 0)),
            pl.BlockSpec((1, d_out), lambda i: (0, 0)),
            pl.BlockSpec((BLK, 1), lambda i: (i, 0)),
        ],
        out_specs=[
            pl.BlockSpec((BLK, d_out), lambda i: (i, 0)),
            pl.BlockSpec((BLK, d_out), lambda i: (i, 0)),
        ],
        out_shape=[
            jax.ShapeDtypeStruct((N, d_out), jnp.float32),
            jax.ShapeDtypeStruct((N, d_out), jnp.float32),
        ],
    )(x_p, W, b2, r_col)


def _fin_body(agg_ref, h_ref, r_ref, mask_ref, o_ref):
    msg = (agg_ref[0] + agg_ref[1]) * r_ref[...]
    o_ref[...] = jnp.where(mask_ref[...] != 0.0, msg, h_ref[...])


def _fin_call(agg3, h, r_col, mask2):
    d_out = h.shape[1]
    return pl.pallas_call(
        _fin_body,
        grid=(N // BLK,),
        in_specs=[
            pl.BlockSpec((2, BLK, d_out), lambda i: (0, i, 0)),
            pl.BlockSpec((BLK, d_out), lambda i: (i, 0)),
            pl.BlockSpec((BLK, 1), lambda i: (i, 0)),
            pl.BlockSpec((1, d_out), lambda i: (0, 0)),
        ],
        out_specs=pl.BlockSpec((BLK, d_out), lambda i: (i, 0)),
        out_shape=jax.ShapeDtypeStruct((N, d_out), jnp.float32),
    )(agg3, h, r_col, mask2)


def kernel(x, edge_index, W, b, mask):
    n, _ = x.shape
    d_out = W.shape[0]
    e = edge_index.shape[1]
    assert e == E_RAW and n == N

    e3 = edge_index.reshape(2, ROWS, CHUNK)
    degf = _deg_kernel(e3)
    deg = degf.reshape(NCORES, N_PAD).sum(axis=0)
    r_col = lax.rsqrt(jnp.maximum(deg, 1.0)).reshape(N_PAD, 1)
    h, hs = _lin_call(x, W, b.reshape(1, d_out), r_col)
    aggf = _agg_kernel(hs, e3)
    agg3 = aggf.reshape(NCORES, N_PAD, d_out)
    return _fin_call(agg3, h, r_col, mask.astype(jnp.float32).reshape(1, d_out))

# --- scband reference (transcript-rebuilt; emitter-appended) ---
"""Pipeline reference for scband-semi-graph-conv-59390807769609 (READ-ONLY COPY).

The authoritative reference and input builder live on the scoring server;
editing this copy changes nothing except your own understanding.
"""

import jax, jax.numpy as jnp
import numpy as np

N = 10000
E = 320000
D_IN = 128
D_OUT = 128


def setup_inputs(seed: int = 0) -> dict:
    key = jax.random.key(seed)
    k1, k2, k3, k4 = jax.random.split(key, 4)
    x = jax.random.normal(k1, (N, D_IN), dtype=jnp.float32)
    edge_index = jax.random.randint(k2, (2, E), 0, N, dtype=jnp.int32)
    # nn.Linear(d_input, d_output): W [d_out, d_in], b [d_out]
    W = jax.random.normal(k3, (D_OUT, D_IN), dtype=jnp.float32) * (1.0 / np.sqrt(D_IN))
    b = jnp.zeros((D_OUT,), dtype=jnp.float32)
    # mask = bernoulli(graph_conv_ratio) over feature dims, fixed at init
    mask = jax.random.bernoulli(k4, 0.5, (D_OUT,))
    return {"x": x, "edge_index": edge_index, "W": W, "b": b, "mask": mask}


def reference(x, edge_index, W, b, mask):
    n = x.shape[0]
    # self.linear(x)
    h = x @ W.T + b
    src = edge_index[0]
    dst = edge_index[1]
    # GCNConv: degrees = clamp(out_degrees, 1.0)
    deg = jnp.maximum(jnp.bincount(src, length=n).astype(jnp.float32), 1.0)
    # u_mul_v(graph, deg, deg) -> per-edge deg[src]*deg[dst]; norm = rsqrt
    norm = 1.0 / jnp.sqrt(deg[src] * deg[dst])
    # u_mul_e_sum: out[dst] += h[src] * norm[e]
    msg = jax.ops.segment_sum(h[src] * norm[:, None], dst, num_segments=n)
    # torch.where(mask, message, x_linear)
    return jnp.where(mask[None, :], msg, h)

if __name__ == "__main__":
    import jax
    _d = setup_inputs()
    print(jax.jit(kernel)(*tuple(_d.values())))

</pallas_src>

<mosaic_0001>
#map = affine_map<(d0, d1) -> (0, 0, 0)>
#map1 = affine_map<(d0, d1) -> (0)>
module attributes {stable_mosaic.version = 14 : i64} {
  func.func @_deg_kernel(%arg0: i32, %arg1: i32, %arg2: memref<2x2560x125xi32, #tpu.memory_space<hbm>>, %arg3: memref<20480xf32, #tpu.memory_space<hbm>>, %arg4: memref<128xf32, #tpu.memory_space<vmem>>, %arg5: memref<640xf32, #tpu.memory_space<vmem>>, %arg6: memref<80x125xi32, #tpu.memory_space<vmem>>, %arg7: memref<!tpu.dma_semaphore, #tpu.memory_space<semaphore_mem>>, %arg8: memref<10240xf32, #tpu.memory_space<vmem_shared>>) attributes {dimension_semantics = [#tpu.dimension_semantics<core_parallel>, #tpu.dimension_semantics<subcore_parallel>], iteration_bounds = array<i64: 2, 16>, scalar_prefetch = 0 : i64, scratch_operands = 5 : i64, tpu.core_type = #tpu.core_type<sc_vector_subcore>, window_params = [{transform_indices = #map}, {transform_indices = #map1}]} {
    %scan3A = arith.constant 0 : i32
    %scan3A_0 = arith.constant 0 : i32
    %scan3A_1 = arith.constant 8 : i32
    %scan3A_2 = arith.addi %scan3A_0, %scan3A_1 : i32
    %scan3A_3 = arith.constant 1 : i32
    scf.for %scan3A_36 = %scan3A_0 to %scan3A_2 step %scan3A_3  : i32 {
      %broadcast_in_dim3A = arith.constant 1.000000e+00 : f32
      %broadcast_in_dim3A_37 = vector.broadcast %broadcast_in_dim3A : f32 to vector<16xf32>
      %mul3A_38 = arith.constant 16 : i32
      %mul3A_39 = arith.muli %scan3A_36, %mul3A_38 : i32
      %swap3A = arith.index_cast %mul3A_39 : i32 to index
      %swap3A_40 = tpu.vector_load %arg4[%swap3A] {strides = array<i32>} : memref<128xf32, #tpu.memory_space<vmem>>, vector<16xf32>,
      %swap3A_41 = vector.shape_cast %swap3A_40 : vector<16xf32> to vector<16xf32>
      %swap3A_42 = vector.shape_cast %broadcast_in_dim3A_37 : vector<16xf32> to vector<16xf32>
      tpu.vector_store %arg4[%swap3A], %swap3A_42 {strides = array<i32>} : memref<128xf32, #tpu.memory_space<vmem>>, vector<16xf32>,
    }
    %scan3A_4 = arith.constant 8 : i32
    %scan3A_5 = arith.constant 0 : i32
    %scan3A_6 = arith.constant 0 : i32
    %scan3A_7 = arith.constant 40 : i32
    %scan3A_8 = arith.addi %scan3A_6, %scan3A_7 : i32
    %scan3A_9 = arith.constant 1 : i32
    scf.for %scan3A_36 = %scan3A_6 to %scan3A_8 step %scan3A_9  : i32 {
      %broadcast_in_dim3A = arith.constant 0.000000e+00 : f32
      %broadcast_in_dim3A_37 = vector.broadcast %broadcast_in_dim3A : f32 to vector<16xf32>
      %mul3A_38 = arith.constant 16 : i32
      %mul3A_39 = arith.muli %scan3A_36, %mul3A_38 : i32
      %swap3A = arith.index_cast %mul3A_39 : i32 to index
      %swap3A_40 = tpu.vector_load %arg5[%swap3A] {strides = array<i32>} : memref<640xf32, #tpu.memory_space<vmem>>, vector<16xf32>,
      %swap3A_41 = vector.shape_cast %swap3A_40 : vector<16xf32> to vector<16xf32>
      %swap3A_42 = vector.shape_cast %broadcast_in_dim3A_37 : vector<16xf32> to vector<16xf32>
      tpu.vector_store %arg5[%swap3A], %swap3A_42 {strides = array<i32>} : memref<640xf32, #tpu.memory_space<vmem>>, vector<16xf32>,
    }
    %scan3A_10 = arith.constant 40 : i32
    %mul3A = arith.constant 640 : i32
    %mul3A_11 = arith.muli %arg1, %mul3A : i32
    "tpu.region"() ({
      %run_scoped3A_36 = tpu.sem_alloc : memref<!tpu.dma_semaphore, #tpu.memory_space<semaphore_mem>>
      %dma_start3A = tpu.memref_slice %arg8[%mul3A_11] : memref<10240xf32, #tpu.memory_space<vmem_shared>> -> memref<640xf32, #tpu.memory_space<vmem_shared>>
      %dma_start3A_37 = tpu.memref_slice %arg8[%mul3A_11] : memref<10240xf32, #tpu.memory_space<vmem_shared>> -> memref<640xf32, #tpu.memory_space<vmem_shared>>
      tpu.enqueue_dma source(%arg5 : memref<640xf32, #tpu.memory_space<vmem>>) target(%dma_start3A_37 : memref<640xf32, #tpu.memory_space<vmem_shared>>) target_semaphore(%run_scoped3A_36 : memref<!tpu.dma_semaphore, #tpu.memory_space<semaphore_mem>>)
      %dma_wait3A = tpu.memref_slice %arg8[%mul3A_11] : memref<10240xf32, #tpu.memory_space<vmem_shared>> -> memref<640xf32, #tpu.memory_space<vmem_shared>>
      %dma_wait3A_38 = tpu.memref_slice %arg8[%mul3A_11] : memref<10240xf32, #tpu.memory_space<vmem_shared>> -> memref<640xf32, #tpu.memory_space<vmem_shared>>
      tpu.wait_dma2 semaphore(%run_scoped3A_36 : memref<!tpu.dma_semaphore, #tpu.memory_space<semaphore_mem>>) src(%arg5 : memref<640xf32, #tpu.memory_space<vmem>>) dst(%dma_wait3A_38 : memref<640xf32, #tpu.memory_space<vmem_shared>>)
      tpu.yield
    }) : () -> ()
    %mul3A_12 = arith.constant 1280 : i32
    %mul3A_13 = arith.muli %arg0, %mul3A_12 : i32
    %mul3A_14 = arith.constant 80 : i32
    %mul3A_15 = arith.muli %arg1, %mul3A_14 : i32
    %add3A = arith.addi %mul3A_13, %mul3A_15 : i32
    %run_scoped3A = arith.constant 0 : i32
    "tpu.region"() ({
      %run_scoped3A_36 = tpu.sem_alloc : memref<!tpu.dma_semaphore, #tpu.memory_space<semaphore_mem>>
      %dma_start3A = arith.constant 0 : i32
      %dma_start3A_37 = tpu.memref_slice %arg2[%run_scoped3A, %add3A, %dma_start3A] : memref<2x2560x125xi32, #tpu.memory_space<hbm>> -> memref<1x80x125xi32, #tpu.memory_space<hbm>>
      %dma_start3A_38 = tpu.memref_squeeze %dma_start3A_37 : memref<1x80x125xi32, #tpu.memory_space<hbm>> -> memref<80x125xi32, #tpu.memory_space<hbm>>
      %dma_start3A_39 = arith.constant 0 : i32
      %dma_start3A_40 = tpu.memref_slice %arg2[%run_scoped3A, %add3A, %dma_start3A_39] : memref<2x2560x125xi32, #tpu.memory_space<hbm>> -> memref<1x80x125xi32, #tpu.memory_space<hbm>>
      %dma_start3A_41 = tpu.memref_squeeze %dma_start3A_40 : memref<1x80x125xi32, #tpu.memory_space<hbm>> -> memref<80x125xi32, #tpu.memory_space<hbm>>
      tpu.enqueue_dma source(%dma_start3A_41 : memref<80x125xi32, #tpu.memory_space<hbm>>) target(%arg6 : memref<80x125xi32, #tpu.memory_space<vmem>>) target_semaphore(%run_scoped3A_36 : memref<!tpu.dma_semaphore, #tpu.memory_space<semaphore_mem>>)
      %dma_wait3A = arith.constant 0 : i32
      %dma_wait3A_42 = tpu.memref_slice %arg2[%run_scoped3A, %add3A, %dma_wait3A] : memref<2x2560x125xi32, #tpu.memory_space<hbm>> -> memref<1x80x125xi32, #tpu.memory_space<hbm>>
      %dma_wait3A_43 = tpu.memref_squeeze %dma_wait3A_42 : memref<1x80x125xi32, #tpu.memory_space<hbm>> -> memref<80x125xi32, #tpu.memory_space<hbm>>
      %dma_wait3A_44 = arith.constant 0 : i32
      %dma_wait3A_45 = tpu.memref_slice %arg2[%run_scoped3A, %add3A, %dma_wait3A_44] : memref<2x2560x125xi32, #tpu.memory_space<hbm>> -> memref<1x80x125xi32, #tpu.memory_space<hbm>>
      %dma_wait3A_46 = tpu.memref_squeeze %dma_wait3A_45 : memref<1x80x125xi32, #tpu.memory_space<hbm>> -> memref<80x125xi32, #tpu.memory_space<hbm>>
      tpu.wait_dma2 semaphore(%run_scoped3A_36 : memref<!tpu.dma_semaphore, #tpu.memory_space<semaphore_mem>>) src(%dma_wait3A_46 : memref<80x125xi32, #tpu.memory_space<hbm>>) dst(%arg6 : memref<80x125xi32, #tpu.memory_space<vmem>>)
      tpu.yield
    }) : () -> ()
    %barrier3A = arith.constant 0 : index
    tpu.barrier barrier_id(%barrier3A)
    %scan3A_16 = arith.constant 0 : i32
    %scan3A_17 = arith.constant 0 : i32
    %scan3A_18 = arith.constant 80 : i32
    %scan3A_19 = arith.addi %scan3A_17, %scan3A_18 : i32
    %scan3A_20 = arith.constant 1 : i32
    scf.for %scan3A_36 = %scan3A_17 to %scan3A_19 step %scan3A_20  : i32 {
      %dma_start3A = arith.constant 0 : i32
      %dma_start3A_37 = tpu.memref_slice %arg4[%dma_start3A] : memref<128xf32, #tpu.memory_space<vmem>> -> memref<125xf32, #tpu.memory_space<vmem>>
      %dma_start3A_38 = arith.constant 0 : i32
      %dma_start3A_39 = tpu.memref_slice %arg6[%scan3A_36, %dma_start3A_38] : memref<80x125xi32, #tpu.memory_space<vmem>> -> memref<1x125xi32, #tpu.memory_space<vmem>>
      %dma_start3A_40 = tpu.memref_squeeze %dma_start3A_39 : memref<1x125xi32, #tpu.memory_space<vmem>> -> memref<125xi32, #tpu.memory_space<vmem>>
      %dma_start3A_41 = arith.constant 0 : i32
      %dma_start3A_42 = tpu.memref_slice %arg8[%dma_start3A_41] : memref<10240xf32, #tpu.memory_space<vmem_shared>> -> memref<10240xf32, #tpu.memory_space<vmem_shared>>
      tpu.enqueue_indirect_dma source(%dma_start3A_37 : memref<125xf32, #tpu.memory_space<vmem>>) target(%dma_start3A_42 : memref<10240xf32, #tpu.memory_space<vmem_shared>>) offsets(%dma_start3A_40 : memref<125xi32, #tpu.memory_space<vmem>>) semaphore(%arg7 : memref<!tpu.dma_semaphore, #tpu.memory_space<semaphore_mem>>) {add = true}
    }
    %scan3A_21 = arith.constant 80 : i32
    %scan3A_22 = arith.constant 0 : i32
    %scan3A_23 = arith.constant 0 : i32
    %scan3A_24 = arith.constant 80 : i32
    %scan3A_25 = arith.addi %scan3A_23, %scan3A_24 : i32
    %scan3A_26 = arith.constant 1 : i32
    scf.for %scan3A_36 = %scan3A_23 to %scan3A_25 step %scan3A_26  : i32 {
      %dma_wait3A = arith.constant 0 : i32
      %dma_wait3A_37 = tpu.memref_slice %arg4[%dma_wait3A] : memref<128xf32, #tpu.memory_space<vmem>> -> memref<125xf32, #tpu.memory_space<vmem>>
      %dma_wait3A_38 = arith.constant 0 : i32
      %dma_wait3A_39 = tpu.memref_slice %arg6[%scan3A_36, %dma_wait3A_38] : memref<80x125xi32, #tpu.memory_space<vmem>> -> memref<1x125xi32, #tpu.memory_space<vmem>>
      %dma_wait3A_40 = tpu.memref_squeeze %dma_wait3A_39 : memref<1x125xi32, #tpu.memory_space<vmem>> -> memref<125xi32, #tpu.memory_space<vmem>>
      %dma_wait3A_41 = arith.constant 0 : i32
      %dma_wait3A_42 = tpu.memref_slice %arg8[%dma_wait3A_41] : memref<10240xf32, #tpu.memory_space<vmem_shared>> -> memref<10240xf32, #tpu.memory_space<vmem_shared>>
      tpu.wait_indirect_dma semaphore(%arg7 : memref<!tpu.dma_semaphore, #tpu.memory_space<semaphore_mem>>) src(%dma_wait3A_37 : memref<125xf32, #tpu.memory_space<vmem>>) dst(%dma_wait3A_42 : memref<10240xf32, #tpu.memory_space<vmem_shared>>)
    }
    %scan3A_27 = arith.constant 80 : i32
    %barrier3A_28 = arith.constant 0 : index
    tpu.barrier barrier_id(%barrier3A_28)
    %mul3A_29 = arith.constant 640 : i32
    %mul3A_30 = arith.muli %arg1, %mul3A_29 : i32
    %mul3A_31 = arith.constant 10240 : i32
    %mul3A_32 = arith.muli %arg0, %mul3A_31 : i32
    %mul3A_33 = arith.constant 640 : i32
    %mul3A_34 = arith.muli %arg1, %mul3A_33 : i32
    %add3A_35 = arith.addi %mul3A_32, %mul3A_34 : i32
    "tpu.region"() ({
      %run_scoped3A_36 = tpu.sem_alloc : memref<!tpu.dma_semaphore, #tpu.memory_space<semaphore_mem>>
      %dma_start3A = tpu.memref_slice %arg3[%add3A_35] : memref<20480xf32, #tpu.memory_space<hbm>> -> memref<640xf32, #tpu.memory_space<hbm>>
      %dma_start3A_37 = tpu.memref_slice %arg8[%mul3A_30] : memref<10240xf32, #tpu.memory_space<vmem_shared>> -> memref<640xf32, #tpu.memory_space<vmem_shared>>
      tpu.enqueue_dma source(%dma_start3A_37 : memref<640xf32, #tpu.memory_space<vmem_shared>>) target(%dma_start3A : memref<640xf32, #tpu.memory_space<hbm>>) target_semaphore(%run_scoped3A_36 : memref<!tpu.dma_semaphore, #tpu.memory_space<semaphore_mem>>)
      %dma_wait3A = tpu.memref_slice %arg3[%add3A_35] : memref<20480xf32, #tpu.memory_space<hbm>> -> memref<640xf32, #tpu.memory_space<hbm>>
      %dma_wait3A_38 = tpu.memref_slice %arg8[%mul3A_30] : memref<10240xf32, #tpu.memory_space<vmem_shared>> -> memref<640xf32, #tpu.memory_space<vmem_shared>>
      tpu.wait_dma2 semaphore(%run_scoped3A_36 : memref<!tpu.dma_semaphore, #tpu.memory_space<semaphore_mem>>) src(%dma_wait3A_38 : memref<640xf32, #tpu.memory_space<vmem_shared>>) dst(%dma_wait3A : memref<640xf32, #tpu.memory_space<hbm>>)
      tpu.yield
    }) : () -> ()
    return
  }
}

#map = affine_map<(d0, d1) -> (0, 0)>
#map1 = affine_map<(d0, d1) -> (0, 0, 0)>
module attributes {stable_mosaic.version = 14 : i64} {
  func.func @_agg_kernel(%arg0: i32, %arg1: i32, %arg2: memref<10000x128xf32, #tpu.memory_space<hbm>>, %arg3: memref<2x2560x125xi32, #tpu.memory_space<hbm>>, %arg4: memref<20480x128xf32, #tpu.memory_space<hbm>>, %arg5: memref<40x125xi32, #tpu.memory_space<vmem>>, %arg6: memref<40x125xi32, #tpu.memory_space<vmem>>, %arg7: memref<125x128xf32, #tpu.memory_space<vmem>>, %arg8: memref<125x128xf32, #tpu.memory_space<vmem>>, %arg9: memref<!tpu.dma_semaphore, #tpu.memory_space<semaphore_mem>>, %arg10: memref<!tpu.dma_semaphore, #tpu.memory_space<semaphore_mem>>, %arg11: memref<10240x128xf32, #tpu.memory_space<vmem_shared>>) attributes {dimension_semantics = [#tpu.dimension_semantics<core_parallel>, #tpu.dimension_semantics<subcore_parallel>], iteration_bounds = array<i64: 2, 16>, scalar_prefetch = 0 : i64, scratch_operands = 7 : i64, tpu.core_type = #tpu.core_type<sc_vector_subcore>, window_params = [{transform_indices = #map}, {transform_indices = #map1}, {transform_indices = #map}]} {
    %mul3A = arith.constant 1280 : i32
    %mul3A_0 = arith.muli %arg0, %mul3A : i32
    %mul3A_1 = arith.constant 80 : i32
    %mul3A_2 = arith.muli %arg1, %mul3A_1 : i32
    %add3A = arith.addi %mul3A_0, %mul3A_2 : i32
    %dma_start3A = arith.constant 0 : i32
    %dma_start3A_3 = arith.constant 0 : i32
    %dma_start3A_4 = tpu.memref_slice %arg3[%dma_start3A, %add3A, %dma_start3A_3] : memref<2x2560x125xi32, #tpu.memory_space<hbm>> -> memref<1x40x125xi32, #tpu.memory_space<hbm>>
    %dma_start3A_5 = tpu.memref_squeeze %dma_start3A_4 : memref<1x40x125xi32, #tpu.memory_space<hbm>> -> memref<40x125xi32, #tpu.memory_space<hbm>>
    %dma_start3A_6 = arith.constant 0 : i32
    %dma_start3A_7 = tpu.memref_slice %arg3[%dma_start3A, %add3A, %dma_start3A_6] : memref<2x2560x125xi32, #tpu.memory_space<hbm>> -> memref<1x40x125xi32, #tpu.memory_space<hbm>>
    %dma_start3A_8 = tpu.memref_squeeze %dma_start3A_7 : memref<1x40x125xi32, #tpu.memory_space<hbm>> -> memref<40x125xi32, #tpu.memory_space<hbm>>
    tpu.enqueue_dma source(%dma_start3A_8 : memref<40x125xi32, #tpu.memory_space<hbm>>) target(%arg5 : memref<40x125xi32, #tpu.memory_space<vmem>>) target_semaphore(%arg9 : memref<!tpu.dma_semaphore, #tpu.memory_space<semaphore_mem>>)
    %dma_start3A_9 = arith.constant 1 : i32
    %dma_start3A_10 = arith.constant 0 : i32
    %dma_start3A_11 = tpu.memref_slice %arg3[%dma_start3A_9, %add3A, %dma_start3A_10] : memref<2x2560x125xi32, #tpu.memory_space<hbm>> -> memref<1x40x125xi32, #tpu.memory_space<hbm>>
    %dma_start3A_12 = tpu.memref_squeeze %dma_start3A_11 : memref<1x40x125xi32, #tpu.memory_space<hbm>> -> memref<40x125xi32, #tpu.memory_space<hbm>>
    %dma_start3A_13 = arith.constant 0 : i32
    %dma_start3A_14 = tpu.memref_slice %arg3[%dma_start3A_9, %add3A, %dma_start3A_13] : memref<2x2560x125xi32, #tpu.memory_space<hbm>> -> memref<1x40x125xi32, #tpu.memory_space<hbm>>
    %dma_start3A_15 = tpu.memref_squeeze %dma_start3A_14 : memref<1x40x125xi32, #tpu.memory_space<hbm>> -> memref<40x125xi32, #tpu.memory_space<hbm>>
    tpu.enqueue_dma source(%dma_start3A_15 : memref<40x125xi32, #tpu.memory_space<hbm>>) target(%arg6 : memref<40x125xi32, #tpu.memory_space<vmem>>) target_semaphore(%arg10 : memref<!tpu.dma_semaphore, #tpu.memory_space<semaphore_mem>>)
    %scan3A = arith.constant 0 : i32
    %scan3A_16 = arith.constant 0 : i32
    %scan3A_17 = arith.constant 512 : i32
    %scan3A_18 = arith.addi %scan3A_16, %scan3A_17 : i32
    %scan3A_19 = arith.constant 1 : i32
    scf.for %scan3A_79 = %scan3A_16 to %scan3A_18 step %scan3A_19  : i32 {
      %jit3A = arith.constant 8 : i32
      %div3A = arith.divsi %scan3A_79, %jit3A : i32
      %sign3A = arith.constant 0 : i32
      %sign3A_80 = arith.cmpi sgt, %scan3A_79, %sign3A : i32
      %sign3A_81 = arith.extui %sign3A_80 : i1 to i32
      %sign3A_82 = arith.constant 0 : i32
      %sign3A_83 = arith.cmpi slt, %scan3A_79, %sign3A_82 : i32
      %sign3A_84 = arith.extui %sign3A_83 : i1 to i32
      %sign3A_85 = arith.subi %sign3A_81, %sign3A_84 : i32
      %sign3A_86 = arith.constant 0 : i32
      %sign3A_87 = arith.cmpi sgt, %jit3A, %sign3A_86 : i32
      %sign3A_88 = arith.extui %sign3A_87 : i1 to i32
      %sign3A_89 = arith.constant 0 : i32
      %sign3A_90 = arith.cmpi slt, %jit3A, %sign3A_89 : i32
      %sign3A_91 = arith.extui %sign3A_90 : i1 to i32
      %sign3A_92 = arith.subi %sign3A_88, %sign3A_91 : i32
      %ne3A = arith.cmpi ne, %sign3A_85, %sign3A_92 : i32
      %rem3A = arith.remsi %scan3A_79, %jit3A : i32
      %ne3A_93 = arith.constant 0 : i32
      %ne3A_94 = arith.cmpi ne, %rem3A, %ne3A_93 : i32
      %and3A = arith.andi %ne3A, %ne3A_94 : i1
      %sub3A = arith.constant 1 : i32
      %sub3A_95 = arith.subi %div3A, %sub3A : i32
      %select_n3A = arith.select %and3A, %sub3A_95, %div3A : i32
      %jit3A_96 = arith.constant 8 : i32
      %eq3A = arith.constant 0 : i32
      %eq3A_97 = arith.cmpi eq, %jit3A_96, %eq3A : i32
      %jit3A_98 = arith.constant 1 : i32
      %select_n3A_99 = arith.select %eq3A_97, %jit3A_98, %jit3A_96 : i32
      %rem3A_100 = arith.remsi %scan3A_79, %select_n3A_99 : i32
      %ne3A_101 = arith.constant 0 : i32
      %ne3A_102 = arith.cmpi ne, %rem3A_100, %ne3A_101 : i32
      %lt3A = arith.constant 0 : i32
      %lt3A_103 = arith.cmpi slt, %rem3A_100, %lt3A : i32
      %lt3A_104 = arith.constant 0 : i32
      %lt3A_105 = arith.cmpi slt, %select_n3A_99, %lt3A_104 : i32
      %ne3A_106 = arith.xori %lt3A_103, %lt3A_105 : i1
      %and3A_107 = arith.andi %ne3A_106, %ne3A_102 : i1
      %add3A_108 = arith.addi %rem3A_100, %select_n3A_99 : i32
      %select_n3A_109 = arith.select %and3A_107, %add3A_108, %rem3A_100 : i32
      %broadcast_in_dim3A = arith.constant 0.000000e+00 : f32
      %broadcast_in_dim3A_110 = vector.broadcast %broadcast_in_dim3A : f32 to vector<16xf32>
      %mul3A_111 = arith.constant 16 : i32
      %mul3A_112 = arith.muli %select_n3A_109, %mul3A_111 : i32
      %swap3A = arith.index_cast %select_n3A : i32 to index
      %swap3A_113 = arith.index_cast %mul3A_112 : i32 to index
      %swap3A_114 = tpu.vector_load %arg7[%swap3A, %swap3A_113] {strides = array<i32>} : memref<125x128xf32, #tpu.memory_space<vmem>>, vector<1x16xf32>,
      %swap3A_115 = vector.shape_cast %swap3A_114 : vector<1x16xf32> to vector<16xf32>
      %swap3A_116 = vector.shape_cast %broadcast_in_dim3A_110 : vector<16xf32> to vector<1x16xf32>
      tpu.vector_store %arg7[%swap3A, %swap3A_113], %swap3A_116 {strides = array<i32>} : memref<125x128xf32, #tpu.memory_space<vmem>>, vector<1x16xf32>,
    }
    %scan3A_20 = arith.constant 512 : i32
    %scan3A_21 = arith.constant 0 : i32
    %scan3A_22 = arith.constant 0 : i32
    %scan3A_23 = arith.constant 10 : i32
    %scan3A_24 = arith.addi %scan3A_22, %scan3A_23 : i32
    %scan3A_25 = arith.constant 1 : i32
    scf.for %scan3A_79 = %scan3A_22 to %scan3A_24 step %scan3A_25  : i32 {
      %mul3A_80 = arith.constant 640 : i32
      %mul3A_81 = arith.muli %arg1, %mul3A_80 : i32
      %mul3A_82 = arith.constant 64 : i32
      %mul3A_83 = arith.muli %scan3A_79, %mul3A_82 : i32
      %add3A_84 = arith.addi %mul3A_81, %mul3A_83 : i32
      "tpu.region"() ({
        %run_scoped3A_85 = tpu.sem_alloc : memref<!tpu.dma_semaphore, #tpu.memory_space<semaphore_mem>>
        %dma_start3A_86 = arith.constant 0 : i32
        %dma_start3A_87 = arith.constant 0 : i32
        %dma_start3A_88 = tpu.memref_slice %arg7[%dma_start3A_86, %dma_start3A_87] : memref<125x128xf32, #tpu.memory_space<vmem>> -> memref<64x128xf32, #tpu.memory_space<vmem>>
        %dma_start3A_89 = arith.constant 0 : i32
        %dma_start3A_90 = tpu.memref_slice %arg11[%add3A_84, %dma_start3A_89] : memref<10240x128xf32, #tpu.memory_space<vmem_shared>> -> memref<64x128xf32, #tpu.memory_space<vmem_shared>>
        %dma_start3A_91 = arith.constant 0 : i32
        %dma_start3A_92 = tpu.memref_slice %arg11[%add3A_84, %dma_start3A_91] : memref<10240x128xf32, #tpu.memory_space<vmem_shared>> -> memref<64x128xf32, #tpu.memory_space<vmem_shared>>
        %dma_start3A_93 = arith.constant 0 : i32
        %dma_start3A_94 = arith.constant 0 : i32
        %dma_start3A_95 = tpu.memref_slice %arg7[%dma_start3A_93, %dma_start3A_94] : memref<125x128xf32, #tpu.memory_space<vmem>> -> memref<64x128xf32, #tpu.memory_space<vmem>>
        tpu.enqueue_dma source(%dma_start3A_95 : memref<64x128xf32, #tpu.memory_space<vmem>>) target(%dma_start3A_92 : memref<64x128xf32, #tpu.memory_space<vmem_shared>>) target_semaphore(%run_scoped3A_85 : memref<!tpu.dma_semaphore, #tpu.memory_space<semaphore_mem>>)
        %dma_wait3A_96 = arith.constant 0 : i32
        %dma_wait3A_97 = arith.constant 0 : i32
        %dma_wait3A_98 = tpu.memref_slice %arg7[%dma_wait3A_96, %dma_wait3A_97] : memref<125x128xf32, #tpu.memory_space<vmem>> -> memref<64x128xf32, #tpu.memory_space<vmem>>
        %dma_wait3A_99 = arith.constant 0 : i32
        %dma_wait3A_100 = tpu.memref_slice %arg11[%add3A_84, %dma_wait3A_99] : memref<10240x128xf32, #tpu.memory_space<vmem_shared>> -> memref<64x128xf32, #tpu.memory_space<vmem_shared>>
        %dma_wait3A_101 = arith.constant 0 : i32
        %dma_wait3A_102 = tpu.memref_slice %arg11[%add3A_84, %dma_wait3A_101] : memref<10240x128xf32, #tpu.memory_space<vmem_shared>> -> memref<64x128xf32, #tpu.memory_space<vmem_shared>>
        %dma_wait3A_103 = arith.constant 0 : i32
        %dma_wait3A_104 = arith.constant 0 : i32
        %dma_wait3A_105 = tpu.memref_slice %arg7[%dma_wait3A_103, %dma_wait3A_104] : memref<125x128xf32, #tpu.memory_space<vmem>> -> memref<64x128xf32, #tpu.memory_space<vmem>>
        tpu.wait_dma2 semaphore(%run_scoped3A_85 : memref<!tpu.dma_semaphore, #tpu.memory_space<semaphore_mem>>) src(%dma_wait3A_105 : memref<64x128xf32, #tpu.memory_space<vmem>>) dst(%dma_wait3A_102 : memref<64x128xf32, #tpu.memory_space<vmem_shared>>)
        tpu.yield
      }) : () -> ()
    }
    %scan3A_26 = arith.constant 10 : i32
    %barrier3A = arith.constant 0 : index
    tpu.barrier barrier_id(%barrier3A)
    %dma_wait3A = arith.constant 0 : i32
    %dma_wait3A_27 = arith.constant 0 : i32
    %dma_wait3A_28 = tpu.memref_slice %arg3[%dma_wait3A, %add3A, %dma_wait3A_27] : memref<2x2560x125xi32, #tpu.memory_space<hbm>> -> memref<1x40x125xi32, #tpu.memory_space<hbm>>
    %dma_wait3A_29 = tpu.memref_squeeze %dma_wait3A_28 : memref<1x40x125xi32, #tpu.memory_space<hbm>> -> memref<40x125xi32, #tpu.memory_space<hbm>>
    %dma_wait3A_30 = arith.constant 0 : i32
    %dma_wait3A_31 = tpu.memref_slice %arg3[%dma_wait3A, %add3A, %dma_wait3A_30] : memref<2x2560x125xi32, #tpu.memory_space<hbm>> -> memref<1x40x125xi32, #tpu.memory_space<hbm>>
    %dma_wait3A_32 = tpu.memref_squeeze %dma_wait3A_31 : memref<1x40x125xi32, #tpu.memory_space<hbm>> -> memref<40x125xi32, #tpu.memory_space<hbm>>
    tpu.wait_dma2 semaphore(%arg9 : memref<!tpu.dma_semaphore, #tpu.memory_space<semaphore_mem>>) src(%dma_wait3A_32 : memref<40x125xi32, #tpu.memory_space<hbm>>) dst(%arg5 : memref<40x125xi32, #tpu.memory_space<vmem>>)
    %dma_wait3A_33 = arith.constant 1 : i32
    %dma_wait3A_34 = arith.constant 0 : i32
    %dma_wait3A_35 = tpu.memref_slice %arg3[%dma_wait3A_33, %add3A, %dma_wait3A_34] : memref<2x2560x125xi32, #tpu.memory_space<hbm>> -> memref<1x40x125xi32, #tpu.memory_space<hbm>>
    %dma_wait3A_36 = tpu.memref_squeeze %dma_wait3A_35 : memref<1x40x125xi32, #tpu.memory_space<hbm>> -> memref<40x125xi32, #tpu.memory_space<hbm>>
    %dma_wait3A_37 = arith.constant 0 : i32
    %dma_wait3A_38 = tpu.memref_slice %arg3[%dma_wait3A_33, %add3A, %dma_wait3A_37] : memref<2x2560x125xi32, #tpu.memory_space<hbm>> -> memref<1x40x125xi32, #tpu.memory_space<hbm>>
    %dma_wait3A_39 = tpu.memref_squeeze %dma_wait3A_38 : memref<1x40x125xi32, #tpu.memory_space<hbm>> -> memref<40x125xi32, #tpu.memory_space<hbm>>
    tpu.wait_dma2 semaphore(%arg10 : memref<!tpu.dma_semaphore, #tpu.memory_space<semaphore_mem>>) src(%dma_wait3A_39 : memref<40x125xi32, #tpu.memory_space<hbm>>) dst(%arg6 : memref<40x125xi32, #tpu.memory_space<vmem>>)
    %dma_start3A_40 = arith.constant 0 : i32
    %dma_start3A_41 = arith.constant 0 : i32
    %dma_start3A_42 = tpu.memref_slice %arg5[%dma_start3A_40, %dma_start3A_41] : memref<40x125xi32, #tpu.memory_space<vmem>> -> memref<1x125xi32, #tpu.memory_space<vmem>>
    %dma_start3A_43 = tpu.memref_squeeze %dma_start3A_42 : memref<1x125xi32, #tpu.memory_space<vmem>> -> memref<125xi32, #tpu.memory_space<vmem>>
    %dma_start3A_44 = arith.constant 0 : i32
    %dma_start3A_45 = arith.constant 0 : i32
    %dma_start3A_46 = tpu.memref_slice %arg2[%dma_start3A_44, %dma_start3A_45] : memref<10000x128xf32, #tpu.memory_space<hbm>> -> memref<10000x128xf32, #tpu.memory_space<hbm>>
    tpu.enqueue_indirect_dma source(%dma_start3A_46 : memref<10000x128xf32, #tpu.memory_space<hbm>>) target(%arg7 : memref<125x128xf32, #tpu.memory_space<vmem>>) offsets(%dma_start3A_43 : memref<125xi32, #tpu.memory_space<vmem>>) semaphore(%arg9 : memref<!tpu.dma_semaphore, #tpu.memory_space<semaphore_mem>>)
    %scan3A_47 = arith.constant 0 : i32
    %scan3A_48 = arith.constant 0 : i32
    %scan3A_49 = arith.constant 20 : i32
    %scan3A_50 = arith.addi %scan3A_48, %scan3A_49 : i32
    %scan3A_51 = arith.constant 1 : i32
    scf.for %scan3A_79 = %scan3A_48 to %scan3A_50 step %scan3A_51  : i32 {
      %mul3A_80 = arith.constant 2 : i32
      %mul3A_81 = arith.muli %mul3A_80, %scan3A_79 : i32
      %add3A_82 = arith.constant 1 : i32
      %add3A_83 = arith.addi %mul3A_81, %add3A_82 : i32
      %dma_start3A_84 = arith.constant 0 : i32
      %dma_start3A_85 = tpu.memref_slice %arg5[%add3A_83, %dma_start3A_84] : memref<40x125xi32, #tpu.memory_space<vmem>> -> memref<1x125xi32, #tpu.memory_space<vmem>>
      %dma_start3A_86 = tpu.memref_squeeze %dma_start3A_85 : memref<1x125xi32, #tpu.memory_space<vmem>> -> memref<125xi32, #tpu.memory_space<vmem>>
      %dma_start3A_87 = arith.constant 0 : i32
      %dma_start3A_88 = arith.constant 0 : i32
      %dma_start3A_89 = tpu.memref_slice %arg2[%dma_start3A_87, %dma_start3A_88] : memref<10000x128xf32, #tpu.memory_space<hbm>> -> memref<10000x128xf32, #tpu.memory_space<hbm>>
      tpu.enqueue_indirect_dma source(%dma_start3A_89 : memref<10000x128xf32, #tpu.memory_space<hbm>>) target(%arg8 : memref<125x128xf32, #tpu.memory_space<vmem>>) offsets(%dma_start3A_86 : memref<125xi32, #tpu.memory_space<vmem>>) semaphore(%arg10 : memref<!tpu.dma_semaphore, #tpu.memory_space<semaphore_mem>>)
      %mul3A_90 = arith.constant 2 : i32
      %mul3A_91 = arith.muli %mul3A_90, %scan3A_79 : i32
      %dma_wait3A_92 = arith.constant 0 : i32
      %dma_wait3A_93 = tpu.memref_slice %arg5[%mul3A_91, %dma_wait3A_92] : memref<40x125xi32, #tpu.memory_space<vmem>> -> memref<1x125xi32, #tpu.memory_space<vmem>>
      %dma_wait3A_94 = tpu.memref_squeeze %dma_wait3A_93 : memref<1x125xi32, #tpu.memory_space<vmem>> -> memref<125xi32, #tpu.memory_space<vmem>>
      %dma_wait3A_95 = arith.constant 0 : i32
      %dma_wait3A_96 = arith.constant 0 : i32
      %dma_wait3A_97 = tpu.memref_slice %arg2[%dma_wait3A_95, %dma_wait3A_96] : memref<10000x128xf32, #tpu.memory_space<hbm>> -> memref<10000x128xf32, #tpu.memory_space<hbm>>
      tpu.wait_indirect_dma semaphore(%arg9 : memref<!tpu.dma_semaphore, #tpu.memory_space<semaphore_mem>>) src(%dma_wait3A_97 : memref<10000x128xf32, #tpu.memory_space<hbm>>) dst(%arg7 : memref<125x128xf32, #tpu.memory_space<vmem>>)
      %mul3A_98 = arith.constant 2 : i32
      %mul3A_99 = arith.muli %mul3A_98, %scan3A_79 : i32
      "tpu.region"() ({
        %run_scoped3A_116 = tpu.sem_alloc : memref<!tpu.dma_semaphore, #tpu.memory_space<semaphore_mem>>
        %dma_start3A_117 = arith.constant 0 : i32
        %dma_start3A_118 = tpu.memref_slice %arg6[%mul3A_99, %dma_start3A_117] : memref<40x125xi32, #tpu.memory_space<vmem>> -> memref<1x125xi32, #tpu.memory_space<vmem>>
        %dma_start3A_119 = tpu.memref_squeeze %dma_start3A_118 : memref<1x125xi32, #tpu.memory_space<vmem>> -> memref<125xi32, #tpu.memory_space<vmem>>
        %dma_start3A_120 = arith.constant 0 : i32
        %dma_start3A_121 = arith.constant 0 : i32
        %dma_start3A_122 = tpu.memref_slice %arg11[%dma_start3A_120, %dma_start3A_121] : memref<10240x128xf32, #tpu.memory_space<vmem_shared>> -> memref<10240x128xf32, #tpu.memory_space<vmem_shared>>
        tpu.enqueue_indirect_dma source(%arg7 : memref<125x128xf32, #tpu.memory_space<vmem>>) target(%dma_start3A_122 : memref<10240x128xf32, #tpu.memory_space<vmem_shared>>) offsets(%dma_start3A_119 : memref<125xi32, #tpu.memory_space<vmem>>) semaphore(%run_scoped3A_116 : memref<!tpu.dma_semaphore, #tpu.memory_space<semaphore_mem>>) {add = true}
        %dma_wait3A_123 = arith.constant 0 : i32
        %dma_wait3A_124 = tpu.memref_slice %arg6[%mul3A_99, %dma_wait3A_123] : memref<40x125xi32, #tpu.memory_space<vmem>> -> memref<1x125xi32, #tpu.memory_space<vmem>>
        %dma_wait3A_125 = tpu.memref_squeeze %dma_wait3A_124 : memref<1x125xi32, #tpu.memory_space<vmem>> -> memref<125xi32, #tpu.memory_space<vmem>>
        %dma_wait3A_126 = arith.constant 0 : i32
        %dma_wait3A_127 = arith.constant 0 : i32
        %dma_wait3A_128 = tpu.memref_slice %arg11[%dma_wait3A_126, %dma_wait3A_127] : memref<10240x128xf32, #tpu.memory_space<vmem_shared>> -> memref<10240x128xf32, #tpu.memory_space<vmem_shared>>
        tpu.wait_indirect_dma semaphore(%run_scoped3A_116 : memref<!tpu.dma_semaphore, #tpu.memory_space<semaphore_mem>>) src(%arg7 : memref<125x128xf32, #tpu.memory_space<vmem>>) dst(%dma_wait3A_128 : memref<10240x128xf32, #tpu.memory_space<vmem_shared>>)
        tpu.yield
      }) : () -> ()
      %lt3A = arith.constant 19 : i32
      %lt3A_100 = arith.cmpi slt, %scan3A_79, %lt3A : i32
      %convert_element_type3A = arith.extui %lt3A_100 : i1 to i32
      %cond3A = arith.constant 0 : i32
      %cond3A_101 = arith.cmpi ne, %convert_element_type3A, %cond3A : i32
      scf.if %cond3A_101 {
        %mul3A_116 = arith.constant 2 : i32
        %mul3A_117 = arith.muli %mul3A_116, %scan3A_79 : i32
        %add3A_118 = arith.constant 2 : i32
        %add3A_119 = arith.addi %mul3A_117, %add3A_118 : i32
        %dma_start3A_120 = arith.constant 0 : i32
        %dma_start3A_121 = tpu.memref_slice %arg5[%add3A_119, %dma_start3A_120] : memref<40x125xi32, #tpu.memory_space<vmem>> -> memref<1x125xi32, #tpu.memory_space<vmem>>
        %dma_start3A_122 = tpu.memref_squeeze %dma_start3A_121 : memref<1x125xi32, #tpu.memory_space<vmem>> -> memref<125xi32, #tpu.memory_space<vmem>>
        %dma_start3A_123 = arith.constant 0 : i32
        %dma_start3A_124 = arith.constant 0 : i32
        %dma_start3A_125 = tpu.memref_slice %arg2[%dma_start3A_123, %dma_start3A_124] : memref<10000x128xf32, #tpu.memory_space<hbm>> -> memref<10000x128xf32, #tpu.memory_space<hbm>>
        tpu.enqueue_indirect_dma source(%dma_start3A_125 : memref<10000x128xf32, #tpu.memory_space<hbm>>) target(%arg7 : memref<125x128xf32, #tpu.memory_space<vmem>>) offsets(%dma_start3A_122 : memref<125xi32, #tpu.memory_space<vmem>>) semaphore(%arg9 : memref<!tpu.dma_semaphore, #tpu.memory_space<semaphore_mem>>)
      } else {
      }
      %mul3A_102 = arith.constant 2 : i32
      %mul3A_103 = arith.muli %mul3A_102, %scan3A_79 : i32
      %add3A_104 = arith.constant 1 : i32
      %add3A_105 = arith.addi %mul3A_103, %add3A_104 : i32
      %dma_wait3A_106 = arith.constant 0 : i32
      %dma_wait3A_107 = tpu.memref_slice %arg5[%add3A_105, %dma_wait3A_106] : memref<40x125xi32, #tpu.memory_space<vmem>> -> memref<1x125xi32, #tpu.memory_space<vmem>>
      %dma_wait3A_108 = tpu.memref_squeeze %dma_wait3A_107 : memref<1x125xi32, #tpu.memory_space<vmem>> -> memref<125xi32, #tpu.memory_space<vmem>>
      %dma_wait3A_109 = arith.constant 0 : i32
      %dma_wait3A_110 = arith.constant 0 : i32
      %dma_wait3A_111 = tpu.memref_slice %arg2[%dma_wait3A_109, %dma_wait3A_110] : memref<10000x128xf32, #tpu.memory_space<hbm>> -> memref<10000x128xf32, #tpu.memory_space<hbm>>
      tpu.wait_indirect_dma semaphore(%arg10 : memref<!tpu.dma_semaphore, #tpu.memory_space<semaphore_mem>>) src(%dma_wait3A_111 : memref<10000x128xf32, #tpu.memory_space<hbm>>) dst(%arg8 : memref<125x128xf32, #tpu.memory_space<vmem>>)
      %mul3A_112 = arith.constant 2 : i32
      %mul3A_113 = arith.muli %mul3A_112, %scan3A_79 : i32
      %add3A_114 = arith.constant 1 : i32
      %add3A_115 = arith.addi %mul3A_113, %add3A_114 : i32
      "tpu.region"() ({
        %run_scoped3A_116 = tpu.sem_alloc : memref<!tpu.dma_semaphore, #tpu.memory_space<semaphore_mem>>
        %dma_start3A_117 = arith.constant 0 : i32
        %dma_start3A_118 = tpu.memref_slice %arg6[%add3A_115, %dma_start3A_117] : memref<40x125xi32, #tpu.memory_space<vmem>> -> memref<1x125xi32, #tpu.memory_space<vmem>>
        %dma_start3A_119 = tpu.memref_squeeze %dma_start3A_118 : memref<1x125xi32, #tpu.memory_space<vmem>> -> memref<125xi32, #tpu.memory_space<vmem>>
        %dma_start3A_120 = arith.constant 0 : i32
        %dma_start3A_121 = arith.constant 0 : i32
        %dma_start3A_122 = tpu.memref_slice %arg11[%dma_start3A_120, %dma_start3A_121] : memref<10240x128xf32, #tpu.memory_space<vmem_shared>> -> memref<10240x128xf32, #tpu.memory_space<vmem_shared>>
        tpu.enqueue_indirect_dma source(%arg8 : memref<125x128xf32, #tpu.memory_space<vmem>>) target(%dma_start3A_122 : memref<10240x128xf32, #tpu.memory_space<vmem_shared>>) offsets(%dma_start3A_119 : memref<125xi32, #tpu.memory_space<vmem>>) semaphore(%run_scoped3A_116 : memref<!tpu.dma_semaphore, #tpu.memory_space<semaphore_mem>>) {add = true}
        %dma_wait3A_123 = arith.constant 0 : i32
        %dma_wait3A_124 = tpu.memref_slice %arg6[%add3A_115, %dma_wait3A_123] : memref<40x125xi32, #tpu.memory_space<vmem>> -> memref<1x125xi32, #tpu.memory_space<vmem>>
        %dma_wait3A_125 = tpu.memref_squeeze %dma_wait3A_124 : memref<1x125xi32, #tpu.memory_space<vmem>> -> memref<125xi32, #tpu.memory_space<vmem>>
        %dma_wait3A_126 = arith.constant 0 : i32
        %dma_wait3A_127 = arith.constant 0 : i32
        %dma_wait3A_128 = tpu.memref_slice %arg11[%dma_wait3A_126, %dma_wait3A_127] : memref<10240x128xf32, #tpu.memory_space<vmem_shared>> -> memref<10240x128xf32, #tpu.memory_space<vmem_shared>>
        tpu.wait_indirect_dma semaphore(%run_scoped3A_116 : memref<!tpu.dma_semaphore, #tpu.memory_space<semaphore_mem>>) src(%arg8 : memref<125x128xf32, #tpu.memory_space<vmem>>) dst(%dma_wait3A_128 : memref<10240x128xf32, #tpu.memory_space<vmem_shared>>)
        tpu.yield
      }) : () -> ()
    }
    %scan3A_52 = arith.constant 20 : i32
    %add3A_53 = arith.constant 40 : i32
    %add3A_54 = arith.addi %add3A, %add3A_53 : i32
    %run_scoped3A = arith.constant 0 : i32
    "tpu.region"() ({
      %run_scoped3A_79 = tpu.sem_alloc : memref<!tpu.dma_semaphore, #tpu.memory_space<semaphore_mem>>
      %dma_start3A_80 = arith.constant 0 : i32
      %dma_start3A_81 = tpu.memref_slice %arg3[%run_scoped3A, %add3A_54, %dma_start3A_80] : memref<2x2560x125xi32, #tpu.memory_space<hbm>> -> memref<1x40x125xi32, #tpu.memory_space<hbm>>
      %dma_start3A_82 = tpu.memref_squeeze %dma_start3A_81 : memref<1x40x125xi32, #tpu.memory_space<hbm>> -> memref<40x125xi32, #tpu.memory_space<hbm>>
      %dma_start3A_83 = arith.constant 0 : i32
      %dma_start3A_84 = tpu.memref_slice %arg3[%run_scoped3A, %add3A_54, %dma_start3A_83] : memref<2x2560x125xi32, #tpu.memory_space<hbm>> -> memref<1x40x125xi32, #tpu.memory_space<hbm>>
      %dma_start3A_85 = tpu.memref_squeeze %dma_start3A_84 : memref<1x40x125xi32, #tpu.memory_space<hbm>> -> memref<40x125xi32, #tpu.memory_space<hbm>>
      tpu.enqueue_dma source(%dma_start3A_85 : memref<40x125xi32, #tpu.memory_space<hbm>>) target(%arg5 : memref<40x125xi32, #tpu.memory_space<vmem>>) target_semaphore(%run_scoped3A_79 : memref<!tpu.dma_semaphore, #tpu.memory_space<semaphore_mem>>)
      %dma_wait3A_86 = arith.constant 0 : i32
      %dma_wait3A_87 = tpu.memref_slice %arg3[%run_scoped3A, %add3A_54, %dma_wait3A_86] : memref<2x2560x125xi32, #tpu.memory_space<hbm>> -> memref<1x40x125xi32, #tpu.memory_space<hbm>>
      %dma_wait3A_88 = tpu.memref_squeeze %dma_wait3A_87 : memref<1x40x125xi32, #tpu.memory_space<hbm>> -> memref<40x125xi32, #tpu.memory_space<hbm>>
      %dma_wait3A_89 = arith.constant 0 : i32
      %dma_wait3A_90 = tpu.memref_slice %arg3[%run_scoped3A, %add3A_54, %dma_wait3A_89] : memref<2x2560x125xi32, #tpu.memory_space<hbm>> -> memref<1x40x125xi32, #tpu.memory_space<hbm>>
      %dma_wait3A_91 = tpu.memref_squeeze %dma_wait3A_90 : memref<1x40x125xi32, #tpu.memory_space<hbm>> -> memref<40x125xi32, #tpu.memory_space<hbm>>
      tpu.wait_dma2 semaphore(%run_scoped3A_79 : memref<!tpu.dma_semaphore, #tpu.memory_space<semaphore_mem>>) src(%dma_wait3A_91 : memref<40x125xi32, #tpu.memory_space<hbm>>) dst(%arg5 : memref<40x125xi32, #tpu.memory_space<vmem>>)
      tpu.yield
    }) : () -> ()
    %add3A_55 = arith.constant 40 : i32
    %add3A_56 = arith.addi %add3A, %add3A_55 : i32
    %run_scoped3A_57 = arith.constant 1 : i32
    "tpu.region"() ({
      %run_scoped3A_79 = tpu.sem_alloc : memref<!tpu.dma_semaphore, #tpu.memory_space<semaphore_mem>>
      %dma_start3A_80 = arith.constant 0 : i32
      %dma_start3A_81 = tpu.memref_slice %arg3[%run_scoped3A_57, %add3A_56, %dma_start3A_80] : memref<2x2560x125xi32, #tpu.memory_space<hbm>> -> memref<1x40x125xi32, #tpu.memory_space<hbm>>
      %dma_start3A_82 = tpu.memref_squeeze %dma_start3A_81 : memref<1x40x125xi32, #tpu.memory_space<hbm>> -> memref<40x125xi32, #tpu.memory_space<hbm>>
      %dma_start3A_83 = arith.constant 0 : i32
      %dma_start3A_84 = tpu.memref_slice %arg3[%run_scoped3A_57, %add3A_56, %dma_start3A_83] : memref<2x2560x125xi32, #tpu.memory_space<hbm>> -> memref<1x40x125xi32, #tpu.memory_space<hbm>>
      %dma_start3A_85 = tpu.memref_squeeze %dma_start3A_84 : memref<1x40x125xi32, #tpu.memory_space<hbm>> -> memref<40x125xi32, #tpu.memory_space<hbm>>
      tpu.enqueue_dma source(%dma_start3A_85 : memref<40x125xi32, #tpu.memory_space<hbm>>) target(%arg6 : memref<40x125xi32, #tpu.memory_space<vmem>>) target_semaphore(%run_scoped3A_79 : memref<!tpu.dma_semaphore, #tpu.memory_space<semaphore_mem>>)
      %dma_wait3A_86 = arith.constant 0 : i32
      %dma_wait3A_87 = tpu.memref_slice %arg3[%run_scoped3A_57, %add3A_56, %dma_wait3A_86] : memref<2x2560x125xi32, #tpu.memory_space<hbm>> -> memref<1x40x125xi32, #tpu.memory_space<hbm>>
      %dma_wait3A_88 = tpu.memref_squeeze %dma_wait3A_87 : memref<1x40x125xi32, #tpu.memory_space<hbm>> -> memref<40x125xi32, #tpu.memory_space<hbm>>
      %dma_wait3A_89 = arith.constant 0 : i32
      %dma_wait3A_90 = tpu.memref_slice %arg3[%run_scoped3A_57, %add3A_56, %dma_wait3A_89] : memref<2x2560x125xi32, #tpu.memory_space<hbm>> -> memref<1x40x125xi32, #tpu.memory_space<hbm>>
      %dma_wait3A_91 = tpu.memref_squeeze %dma_wait3A_90 : memref<1x40x125xi32, #tpu.memory_space<hbm>> -> memref<40x125xi32, #tpu.memory_space<hbm>>
      tpu.wait_dma2 semaphore(%run_scoped3A_79 : memref<!tpu.dma_semaphore, #tpu.memory_space<semaphore_mem>>) src(%dma_wait3A_91 : memref<40x125xi32, #tpu.memory_space<hbm>>) dst(%arg6 : memref<40x125xi32, #tpu.memory_space<vmem>>)
      tpu.yield
    }) : () -> ()
    %dma_start3A_58 = arith.constant 0 : i32
    %dma_start3A_59 = arith.constant 0 : i32
    %dma_start3A_60 = tpu.memref_slice %arg5[%dma_start3A_58, %dma_start3A_59] : memref<40x125xi32, #tpu.memory_space<vmem>> -> memref<1x125xi32, #tpu.memory_space<vmem>>
    %dma_start3A_61 = tpu.memref_squeeze %dma_start3A_60 : memref<1x125xi32, #tpu.memory_space<vmem>> -> memref<125xi32, #tpu.memory_space<vmem>>
    %dma_start3A_62 = arith.constant 0 : i32
    %dma_start3A_63 = arith.constant 0 : i32
    %dma_start3A_64 = tpu.memref_slice %arg2[%dma_start3A_62, %dma_start3A_63] : memref<10000x128xf32, #tpu.memory_space<hbm>> -> memref<10000x128xf32, #tpu.memory_space<hbm>>
    tpu.enqueue_indirect_dma source(%dma_start3A_64 : memref<10000x128xf32, #tpu.memory_space<hbm>>) target(%arg7 : memref<125x128xf32, #tpu.memory_space<vmem>>) offsets(%dma_start3A_61 : memref<125xi32, #tpu.memory_space<vmem>>) semaphore(%arg9 : memref<!tpu.dma_semaphore, #tpu.memory_space<semaphore_mem>>)
    %scan3A_65 = arith.constant 0 : i32
    %scan3A_66 = arith.constant 0 : i32
    %scan3A_67 = arith.constant 20 : i32
    %scan3A_68 = arith.addi %scan3A_66, %scan3A_67 : i32
    %scan3A_69 = arith.constant 1 : i32
    scf.for %scan3A_79 = %scan3A_66 to %scan3A_68 step %scan3A_69  : i32 {
      %mul3A_80 = arith.constant 2 : i32
      %mul3A_81 = arith.muli %mul3A_80, %scan3A_79 : i32
      %add3A_82 = arith.constant 1 : i32
      %add3A_83 = arith.addi %mul3A_81, %add3A_82 : i32
      %dma_start3A_84 = arith.constant 0 : i32
      %dma_start3A_85 = tpu.memref_slice %arg5[%add3A_83, %dma_start3A_84] : memref<40x125xi32, #tpu.memory_space<vmem>> -> memref<1x125xi32, #tpu.memory_space<vmem>>
      %dma_start3A_86 = tpu.memref_squeeze %dma_start3A_85 : memref<1x125xi32, #tpu.memory_space<vmem>> -> memref<125xi32, #tpu.memory_space<vmem>>
      %dma_start3A_87 = arith.constant 0 : i32
      %dma_start3A_88 = arith.constant 0 : i32
      %dma_start3A_89 = tpu.memref_slice %arg2[%dma_start3A_87, %dma_start3A_88] : memref<10000x128xf32, #tpu.memory_space<hbm>> -> memref<10000x128xf32, #tpu.memory_space<hbm>>
      tpu.enqueue_indirect_dma source(%dma_start3A_89 : memref<10000x128xf32, #tpu.memory_space<hbm>>) target(%arg8 : memref<125x128xf32, #tpu.memory_space<vmem>>) offsets(%dma_start3A_86 : memref<125xi32, #tpu.memory_space<vmem>>) semaphore(%arg10 : memref<!tpu.dma_semaphore, #tpu.memory_space<semaphore_mem>>)
      %mul3A_90 = arith.constant 2 : i32
      %mul3A_91 = arith.muli %mul3A_90, %scan3A_79 : i32
      %dma_wait3A_92 = arith.constant 0 : i32
      %dma_wait3A_93 = tpu.memref_slice %arg5[%mul3A_91, %dma_wait3A_92] : memref<40x125xi32, #tpu.memory_space<vmem>> -> memref<1x125xi32, #tpu.memory_space<vmem>>
      %dma_wait3A_94 = tpu.memref_squeeze %dma_wait3A_93 : memref<1x125xi32, #tpu.memory_space<vmem>> -> memref<125xi32, #tpu.memory_space<vmem>>
      %dma_wait3A_95 = arith.constant 0 : i32
      %dma_wait3A_96 = arith.constant 0 : i32
      %dma_wait3A_97 = tpu.memref_slice %arg2[%dma_wait3A_95, %dma_wait3A_96] : memref<10000x128xf32, #tpu.memory_space<hbm>> -> memref<10000x128xf32, #tpu.memory_space<hbm>>
      tpu.wait_indirect_dma semaphore(%arg9 : memref<!tpu.dma_semaphore, #tpu.memory_space<semaphore_mem>>) src(%dma_wait3A_97 : memref<10000x128xf32, #tpu.memory_space<hbm>>) dst(%arg7 : memref<125x128xf32, #tpu.memory_space<vmem>>)
      %mul3A_98 = arith.constant 2 : i32
      %mul3A_99 = arith.muli %mul3A_98, %scan3A_79 : i32
      "tpu.region"() ({
        %run_scoped3A_116 = tpu.sem_alloc : memref<!tpu.dma_semaphore, #tpu.memory_space<semaphore_mem>>
        %dma_start3A_117 = arith.constant 0 : i32
        %dma_start3A_118 = tpu.memref_slice %arg6[%mul3A_99, %dma_start3A_117] : memref<40x125xi32, #tpu.memory_space<vmem>> -> memref<1x125xi32, #tpu.memory_space<vmem>>
        %dma_start3A_119 = tpu.memref_squeeze %dma_start3A_118 : memref<1x125xi32, #tpu.memory_space<vmem>> -> memref<125xi32, #tpu.memory_space<vmem>>
        %dma_start3A_120 = arith.constant 0 : i32
        %dma_start3A_121 = arith.constant 0 : i32
        %dma_start3A_122 = tpu.memref_slice %arg11[%dma_start3A_120, %dma_start3A_121] : memref<10240x128xf32, #tpu.memory_space<vmem_shared>> -> memref<10240x128xf32, #tpu.memory_space<vmem_shared>>
        tpu.enqueue_indirect_dma source(%arg7 : memref<125x128xf32, #tpu.memory_space<vmem>>) target(%dma_start3A_122 : memref<10240x128xf32, #tpu.memory_space<vmem_shared>>) offsets(%dma_start3A_119 : memref<125xi32, #tpu.memory_space<vmem>>) semaphore(%run_scoped3A_116 : memref<!tpu.dma_semaphore, #tpu.memory_space<semaphore_mem>>) {add = true}
        %dma_wait3A_123 = arith.constant 0 : i32
        %dma_wait3A_124 = tpu.memref_slice %arg6[%mul3A_99, %dma_wait3A_123] : memref<40x125xi32, #tpu.memory_space<vmem>> -> memref<1x125xi32, #tpu.memory_space<vmem>>
        %dma_wait3A_125 = tpu.memref_squeeze %dma_wait3A_124 : memref<1x125xi32, #tpu.memory_space<vmem>> -> memref<125xi32, #tpu.memory_space<vmem>>
        %dma_wait3A_126 = arith.constant 0 : i32
        %dma_wait3A_127 = arith.constant 0 : i32
        %dma_wait3A_128 = tpu.memref_slice %arg11[%dma_wait3A_126, %dma_wait3A_127] : memref<10240x128xf32, #tpu.memory_space<vmem_shared>> -> memref<10240x128xf32, #tpu.memory_space<vmem_shared>>
        tpu.wait_indirect_dma semaphore(%run_scoped3A_116 : memref<!tpu.dma_semaphore, #tpu.memory_space<semaphore_mem>>) src(%arg7 : memref<125x128xf32, #tpu.memory_space<vmem>>) dst(%dma_wait3A_128 : memref<10240x128xf32, #tpu.memory_space<vmem_shared>>)
        tpu.yield
      }) : () -> ()
      %lt3A = arith.constant 19 : i32
      %lt3A_100 = arith.cmpi slt, %scan3A_79, %lt3A : i32
      %convert_element_type3A = arith.extui %lt3A_100 : i1 to i32
      %cond3A = arith.constant 0 : i32
      %cond3A_101 = arith.cmpi ne, %convert_element_type3A, %cond3A : i32
      scf.if %cond3A_101 {
        %mul3A_116 = arith.constant 2 : i32
        %mul3A_117 = arith.muli %mul3A_116, %scan3A_79 : i32
        %add3A_118 = arith.constant 2 : i32
        %add3A_119 = arith.addi %mul3A_117, %add3A_118 : i32
        %dma_start3A_120 = arith.constant 0 : i32
        %dma_start3A_121 = tpu.memref_slice %arg5[%add3A_119, %dma_start3A_120] : memref<40x125xi32, #tpu.memory_space<vmem>> -> memref<1x125xi32, #tpu.memory_space<vmem>>
        %dma_start3A_122 = tpu.memref_squeeze %dma_start3A_121 : memref<1x125xi32, #tpu.memory_space<vmem>> -> memref<125xi32, #tpu.memory_space<vmem>>
        %dma_start3A_123 = arith.constant 0 : i32
        %dma_start3A_124 = arith.constant 0 : i32
        %dma_start3A_125 = tpu.memref_slice %arg2[%dma_start3A_123, %dma_start3A_124] : memref<10000x128xf32, #tpu.memory_space<hbm>> -> memref<10000x128xf32, #tpu.memory_space<hbm>>
        tpu.enqueue_indirect_dma source(%dma_start3A_125 : memref<10000x128xf32, #tpu.memory_space<hbm>>) target(%arg7 : memref<125x128xf32, #tpu.memory_space<vmem>>) offsets(%dma_start3A_122 : memref<125xi32, #tpu.memory_space<vmem>>) semaphore(%arg9 : memref<!tpu.dma_semaphore, #tpu.memory_space<semaphore_mem>>)
      } else {
      }
      %mul3A_102 = arith.constant 2 : i32
      %mul3A_103 = arith.muli %mul3A_102, %scan3A_79 : i32
      %add3A_104 = arith.constant 1 : i32
      %add3A_105 = arith.addi %mul3A_103, %add3A_104 : i32
      %dma_wait3A_106 = arith.constant 0 : i32
      %dma_wait3A_107 = tpu.memref_slice %arg5[%add3A_105, %dma_wait3A_106] : memref<40x125xi32, #tpu.memory_space<vmem>> -> memref<1x125xi32, #tpu.memory_space<vmem>>
      %dma_wait3A_108 = tpu.memref_squeeze %dma_wait3A_107 : memref<1x125xi32, #tpu.memory_space<vmem>> -> memref<125xi32, #tpu.memory_space<vmem>>
      %dma_wait3A_109 = arith.constant 0 : i32
      %dma_wait3A_110 = arith.constant 0 : i32
      %dma_wait3A_111 = tpu.memref_slice %arg2[%dma_wait3A_109, %dma_wait3A_110] : memref<10000x128xf32, #tpu.memory_space<hbm>> -> memref<10000x128xf32, #tpu.memory_space<hbm>>
      tpu.wait_indirect_dma semaphore(%arg10 : memref<!tpu.dma_semaphore, #tpu.memory_space<semaphore_mem>>) src(%dma_wait3A_111 : memref<10000x128xf32, #tpu.memory_space<hbm>>) dst(%arg8 : memref<125x128xf32, #tpu.memory_space<vmem>>)
      %mul3A_112 = arith.constant 2 : i32
      %mul3A_113 = arith.muli %mul3A_112, %scan3A_79 : i32
      %add3A_114 = arith.constant 1 : i32
      %add3A_115 = arith.addi %mul3A_113, %add3A_114 : i32
      "tpu.region"() ({
        %run_scoped3A_116 = tpu.sem_alloc : memref<!tpu.dma_semaphore, #tpu.memory_space<semaphore_mem>>
        %dma_start3A_117 = arith.constant 0 : i32
        %dma_start3A_118 = tpu.memref_slice %arg6[%add3A_115, %dma_start3A_117] : memref<40x125xi32, #tpu.memory_space<vmem>> -> memref<1x125xi32, #tpu.memory_space<vmem>>
        %dma_start3A_119 = tpu.memref_squeeze %dma_start3A_118 : memref<1x125xi32, #tpu.memory_space<vmem>> -> memref<125xi32, #tpu.memory_space<vmem>>
        %dma_start3A_120 = arith.constant 0 : i32
        %dma_start3A_121 = arith.constant 0 : i32
        %dma_start3A_122 = tpu.memref_slice %arg11[%dma_start3A_120, %dma_start3A_121] : memref<10240x128xf32, #tpu.memory_space<vmem_shared>> -> memref<10240x128xf32, #tpu.memory_space<vmem_shared>>
        tpu.enqueue_indirect_dma source(%arg8 : memref<125x128xf32, #tpu.memory_space<vmem>>) target(%dma_start3A_122 : memref<10240x128xf32, #tpu.memory_space<vmem_shared>>) offsets(%dma_start3A_119 : memref<125xi32, #tpu.memory_space<vmem>>) semaphore(%run_scoped3A_116 : memref<!tpu.dma_semaphore, #tpu.memory_space<semaphore_mem>>) {add = true}
        %dma_wait3A_123 = arith.constant 0 : i32
        %dma_wait3A_124 = tpu.memref_slice %arg6[%add3A_115, %dma_wait3A_123] : memref<40x125xi32, #tpu.memory_space<vmem>> -> memref<1x125xi32, #tpu.memory_space<vmem>>
        %dma_wait3A_125 = tpu.memref_squeeze %dma_wait3A_124 : memref<1x125xi32, #tpu.memory_space<vmem>> -> memref<125xi32, #tpu.memory_space<vmem>>
        %dma_wait3A_126 = arith.constant 0 : i32
        %dma_wait3A_127 = arith.constant 0 : i32
        %dma_wait3A_128 = tpu.memref_slice %arg11[%dma_wait3A_126, %dma_wait3A_127] : memref<10240x128xf32, #tpu.memory_space<vmem_shared>> -> memref<10240x128xf32, #tpu.memory_space<vmem_shared>>
        tpu.wait_indirect_dma semaphore(%run_scoped3A_116 : memref<!tpu.dma_semaphore, #tpu.memory_space<semaphore_mem>>) src(%arg8 : memref<125x128xf32, #tpu.memory_space<vmem>>) dst(%dma_wait3A_128 : memref<10240x128xf32, #tpu.memory_space<vmem_shared>>)
        tpu.yield
      }) : () -> ()
    }
    %scan3A_70 = arith.constant 20 : i32
    %barrier3A_71 = arith.constant 0 : index
    tpu.barrier barrier_id(%barrier3A_71)
    %mul3A_72 = arith.constant 640 : i32
    %mul3A_73 = arith.muli %arg1, %mul3A_72 : i32
    %mul3A_74 = arith.constant 10240 : i32
    %mul3A_75 = arith.muli %arg0, %mul3A_74 : i32
    %mul3A_76 = arith.constant 640 : i32
    %mul3A_77 = arith.muli %arg1, %mul3A_76 : i32
    %add3A_78 = arith.addi %mul3A_75, %mul3A_77 : i32
    "tpu.region"() ({
      %run_scoped3A_79 = tpu.sem_alloc : memref<!tpu.dma_semaphore, #tpu.memory_space<semaphore_mem>>
      %dma_start3A_80 = arith.constant 0 : i32
      %dma_start3A_81 = tpu.memref_slice %arg4[%add3A_78, %dma_start3A_80] : memref<20480x128xf32, #tpu.memory_space<hbm>> -> memref<640x128xf32, #tpu.memory_space<hbm>>
      %dma_start3A_82 = arith.constant 0 : i32
      %dma_start3A_83 = tpu.memref_slice %arg11[%mul3A_73, %dma_start3A_82] : memref<10240x128xf32, #tpu.memory_space<vmem_shared>> -> memref<640x128xf32, #tpu.memory_space<vmem_shared>>
      tpu.enqueue_dma source(%dma_start3A_83 : memref<640x128xf32, #tpu.memory_space<vmem_shared>>) target(%dma_start3A_81 : memref<640x128xf32, #tpu.memory_space<hbm>>) target_semaphore(%run_scoped3A_79 : memref<!tpu.dma_semaphore, #tpu.memory_space<semaphore_mem>>)
      %dma_wait3A_84 = arith.constant 0 : i32
      %dma_wait3A_85 = tpu.memref_slice %arg4[%add3A_78, %dma_wait3A_84] : memref<20480x128xf32, #tpu.memory_space<hbm>> -> memref<640x128xf32, #tpu.memory_space<hbm>>
      %dma_wait3A_86 = arith.constant 0 : i32
      %dma_wait3A_87 = tpu.memref_slice %arg11[%mul3A_73, %dma_wait3A_86] : memref<10240x128xf32, #tpu.memory_space<vmem_shared>> -> memref<640x128xf32, #tpu.memory_space<vmem_shared>>
      tpu.wait_dma2 semaphore(%run_scoped3A_79 : memref<!tpu.dma_semaphore, #tpu.memory_space<semaphore_mem>>) src(%dma_wait3A_87 : memref<640x128xf32, #tpu.memory_space<vmem_shared>>) dst(%dma_wait3A_85 : memref<640x128xf32, #tpu.memory_space<hbm>>)
      tpu.yield
    }) : () -> ()
    return
  }
}

module attributes {stable_mosaic.version = 14 : i64} {
  func.func @_lin_body(%arg0: i32, %arg1: memref<2000x128xf32, #tpu.memory_space<vmem>>, %arg2: memref<128x128xf32, #tpu.memory_space<vmem>>, %arg3: memref<1x128xf32, #tpu.memory_space<vmem>>, %arg4: memref<2000x1xf32, #tpu.memory_space<vmem>>, %arg5: memref<2000x128xf32, #tpu.memory_space<vmem>>, %arg6: memref<2000x128xf32, #tpu.memory_space<vmem>>) attributes {dimension_semantics = [#tpu.dimension_semantics<arbitrary>], iteration_bounds = array<i64: 5>, scalar_prefetch = 0 : i64, scratch_operands = 0 : i64, tpu.core_type = #tpu.core_type<tc>, window_params = [{transform_indices = @transform_0, window_bounds = array<i64: 2000, 128>}, {pipeline_mode = #tpu.pipeline_mode<synchronous>, transform_indices = @transform_1, window_bounds = array<i64: 128, 128>}, {pipeline_mode = #tpu.pipeline_mode<synchronous>, transform_indices = @transform_2, window_bounds = array<i64: 1, 128>}, {transform_indices = @transform_3, window_bounds = array<i64: 2000, 1>}, {transform_indices = @transform_4, window_bounds = array<i64: 2000, 128>}, {transform_indices = @transform_5, window_bounds = array<i64: 2000, 128>}]} {
    %get3A = arith.constant 0 : index
    %get3A_0 = arith.constant 0 : index
    %get3A_1 = vector.load %arg1[%get3A, %get3A_0] : memref<2000x128xf32, #tpu.memory_space<vmem>>, vector<2000x128xf32>
    %get3A_2 = arith.constant 0 : index
    %get3A_3 = arith.constant 0 : index
    %get3A_4 = vector.load %arg2[%get3A_2, %get3A_3] : memref<128x128xf32, #tpu.memory_space<vmem>>, vector<128x128xf32>
    %dot_general3A = arith.constant dense<0.000000e+00> : vector<2000x128xf32>
    %dot_general3A_5 = tpu.matmul %get3A_1, %get3A_4, %dot_general3A {dimension_numbers = #tpu.dot_dimension_numbers<[1], [1], [0], [0], [0, 0, 1, 0], [], []>, transpose_lhs_hint = false} : vector<2000x128xf32>, vector<128x128xf32>, vector<2000x128xf32> -> vector<2000x128xf32>
    %get3A_6 = arith.constant 0 : index
    %get3A_7 = arith.constant 0 : index
    %get3A_8 = vector.load %arg3[%get3A_6, %get3A_7] : memref<1x128xf32, #tpu.memory_space<vmem>>, vector<1x128xf32>
    %add3A = vector.broadcast %get3A_8 : vector<1x128xf32> to vector<2000x128xf32>
    %add3A_9 = arith.addf %dot_general3A_5, %add3A : vector<2000x128xf32>
    %swap3A = arith.constant 0 : index
    %swap3A_10 = arith.constant 0 : index
    %swap3A_11 = vector.load %arg5[%swap3A, %swap3A_10] : memref<2000x128xf32, #tpu.memory_space<vmem>>, vector<2000x128xf32>
    tpu.vector_store %arg5[%swap3A, %swap3A_10], %add3A_9 {strides = array<i32>} : memref<2000x128xf32, #tpu.memory_space<vmem>>, vector<2000x128xf32>,
    %get3A_12 = arith.constant 0 : index
    %get3A_13 = arith.constant 0 : index
    %get3A_14 = vector.load %arg4[%get3A_12, %get3A_13] : memref<2000x1xf32, #tpu.memory_space<vmem>>, vector<2000x1xf32>
    %mul3A = vector.broadcast %get3A_14 : vector<2000x1xf32> to vector<2000x128xf32>
    %mul3A_15 = arith.mulf %add3A_9, %mul3A : vector<2000x128xf32>
    %swap3A_16 = arith.constant 0 : index
    %swap3A_17 = arith.constant 0 : index
    %swap3A_18 = vector.load %arg6[%swap3A_16, %swap3A_17] : memref<2000x128xf32, #tpu.memory_space<vmem>>, vector<2000x128xf32>
    tpu.vector_store %arg6[%swap3A_16, %swap3A_17], %mul3A_15 {strides = array<i32>} : memref<2000x128xf32, #tpu.memory_space<vmem>>, vector<2000x128xf32>,
    return
  }
  func.func @transform_0(%arg0: i32) -> (i32, i32) {
    %c0_i32 = arith.constant 0 : i32
    %c0_i32_0 = arith.constant 0 : i32
    return %arg0, %c0_i32 : i32, i32
  }
  func.func @transform_1(%arg0: i32) -> (i32, i32) {
    %c0_i32 = arith.constant 0 : i32
    %c0_i32_0 = arith.constant 0 : i32
    %c0_i32_1 = arith.constant 0 : i32
    return %c0_i32, %c0_i32_0 : i32, i32
  }
  func.func @transform_2(%arg0: i32) -> (i32, i32) {
    %c0_i32 = arith.constant 0 : i32
    %c0_i32_0 = arith.constant 0 : i32
    %c0_i32_1 = arith.constant 0 : i32
    return %c0_i32, %c0_i32_0 : i32, i32
  }
  func.func @transform_3(%arg0: i32) -> (i32, i32) {
    %c0_i32 = arith.constant 0 : i32
    %c0_i32_0 = arith.constant 0 : i32
    return %arg0, %c0_i32 : i32, i32
  }
  func.func @transform_4(%arg0: i32) -> (i32, i32) {
    %c0_i32 = arith.constant 0 : i32
    %c0_i32_0 = arith.constant 0 : i32
    return %arg0, %c0_i32 : i32, i32
  }
  func.func @transform_5(%arg0: i32) -> (i32, i32) {
    %c0_i32 = arith.constant 0 : i32
    %c0_i32_0 = arith.constant 0 : i32
    return %arg0, %c0_i32 : i32, i32
  }
}

module attributes {stable_mosaic.version = 14 : i64} {
  func.func @_fin_body(%arg0: i32, %arg1: memref<2x2000x128xf32, #tpu.memory_space<vmem>>, %arg2: memref<2000x128xf32, #tpu.memory_space<vmem>>, %arg3: memref<2000x1xf32, #tpu.memory_space<vmem>>, %arg4: memref<1x128xf32, #tpu.memory_space<vmem>>, %arg5: memref<2000x128xf32, #tpu.memory_space<vmem>>) attributes {dimension_semantics = [#tpu.dimension_semantics<arbitrary>], iteration_bounds = array<i64: 5>, scalar_prefetch = 0 : i64, scratch_operands = 0 : i64, tpu.core_type = #tpu.core_type<tc>, window_params = [{transform_indices = @transform_0, window_bounds = array<i64: 2, 2000, 128>}, {transform_indices = @transform_1, window_bounds = array<i64: 2000, 128>}, {transform_indices = @transform_2, window_bounds = array<i64: 2000, 1>}, {pipeline_mode = #tpu.pipeline_mode<synchronous>, transform_indices = @transform_3, window_bounds = array<i64: 1, 128>}, {transform_indices = @transform_4, window_bounds = array<i64: 2000, 128>}]} {
    %get3A = arith.constant 0 : index
    %get3A_0 = arith.constant 0 : index
    %get3A_1 = arith.constant 0 : index
    %get3A_2 = vector.load %arg1[%get3A, %get3A_0, %get3A_1] : memref<2x2000x128xf32, #tpu.memory_space<vmem>>, vector<1x2000x128xf32>
    %get3A_3 = vector.shape_cast %get3A_2 : vector<1x2000x128xf32> to vector<2000x128xf32>
    %get3A_4 = arith.constant 1 : index
    %get3A_5 = arith.constant 0 : index
    %get3A_6 = arith.constant 0 : index
    %get3A_7 = vector.load %arg1[%get3A_4, %get3A_5, %get3A_6] : memref<2x2000x128xf32, #tpu.memory_space<vmem>>, vector<1x2000x128xf32>
    %get3A_8 = vector.shape_cast %get3A_7 : vector<1x2000x128xf32> to vector<2000x128xf32>
    %add3A = arith.addf %get3A_3, %get3A_8 : vector<2000x128xf32>
    %get3A_9 = arith.constant 0 : index
    %get3A_10 = arith.constant 0 : index
    %get3A_11 = vector.load %arg3[%get3A_9, %get3A_10] : memref<2000x1xf32, #tpu.memory_space<vmem>>, vector<2000x1xf32>
    %mul3A = vector.broadcast %get3A_11 : vector<2000x1xf32> to vector<2000x128xf32>
    %mul3A_12 = arith.mulf %add3A, %mul3A : vector<2000x128xf32>
    %get3A_13 = arith.constant 0 : index
    %get3A_14 = arith.constant 0 : index
    %get3A_15 = vector.load %arg4[%get3A_13, %get3A_14] : memref<1x128xf32, #tpu.memory_space<vmem>>, vector<1x128xf32>
    %ne3A = arith.constant 0.000000e+00 : f32
    %ne3A_16 = vector.broadcast %ne3A : f32 to vector<1x128xf32>
    %ne3A_17 = arith.cmpf one, %get3A_15, %ne3A_16 : vector<1x128xf32>
    %get3A_18 = arith.constant 0 : index
    %get3A_19 = arith.constant 0 : index
    %get3A_20 = vector.load %arg2[%get3A_18, %get3A_19] : memref<2000x128xf32, #tpu.memory_space<vmem>>, vector<2000x128xf32>
    %broadcast_in_dim3A = vector.shape_cast %ne3A_17 : vector<1x128xi1> to vector<1x128xi1>
    %broadcast_in_dim3A_21 = vector.broadcast %broadcast_in_dim3A : vector<1x128xi1> to vector<2000x128xi1>
    %select_n3A = arith.select %broadcast_in_dim3A_21, %mul3A_12, %get3A_20 : vector<2000x128xi1>, vector<2000x128xf32>
    %swap3A = arith.constant 0 : index
    %swap3A_22 = arith.constant 0 : index
    %swap3A_23 = vector.load %arg5[%swap3A, %swap3A_22] : memref<2000x128xf32, #tpu.memory_space<vmem>>, vector<2000x128xf32>
    tpu.vector_store %arg5[%swap3A, %swap3A_22], %select_n3A {strides = array<i32>} : memref<2000x128xf32, #tpu.memory_space<vmem>>, vector<2000x128xf32>,
    return
  }
  func.func @transform_0(%arg0: i32) -> (i32, i32, i32) {
    %c0_i32 = arith.constant 0 : i32
    %c0_i32_0 = arith.constant 0 : i32
    %c0_i32_1 = arith.constant 0 : i32
    return %c0_i32, %arg0, %c0_i32_0 : i32, i32, i32
  }
  func.func @transform_1(%arg0: i32) -> (i32, i32) {
    %c0_i32 = arith.constant 0 : i32
    %c0_i32_0 = arith.constant 0 : i32
    return %arg0, %c0_i32 : i32, i32
  }
  func.func @transform_2(%arg0: i32) -> (i32, i32) {
    %c0_i32 = arith.constant 0 : i32
    %c0_i32_0 = arith.constant 0 : i32
    return %arg0, %c0_i32 : i32, i32
  }
  func.func @transform_3(%arg0: i32) -> (i32, i32) {
    %c0_i32 = arith.constant 0 : i32
    %c0_i32_0 = arith.constant 0 : i32
    %c0_i32_1 = arith.constant 0 : i32
    return %c0_i32, %c0_i32_0 : i32, i32
  }
  func.func @transform_4(%arg0: i32) -> (i32, i32) {
    %c0_i32 = arith.constant 0 : i32
    %c0_i32_0 = arith.constant 0 : i32
    return %arg0, %c0_i32 : i32, i32
  }
}

</mosaic_0001>

<sc_bundles>
// kernel: kernel.6.cloned.1.call-start
scs
__scs_entry_jumppad:
0x0: {  	(pc) =	sbr.rel $0x88, $3  }
0x1: {  	(tag) =	ssettag $0x0;
	lr =	simm.s32 $0x1  }
0x2: {  	[smem:$0x3F9C] =	sst lr;
	_ =	strace $0xD0000000  }
0x3: {  	_ = 	snop  }
0x4: {  	_ = 	snop  }
0x5: {  	_ = 	snop  }
0x6: {  	_ = 	snop  }
0x7: {  	_ = 	snop  }
__scs_overlays_trampoline_lowered:
0x8: {  	[smem:$0x3FAB] =	sst s0  }
0x9: {  	[smem:$0x3FAC] =	sst s1  }
0xa: {  	[smem:$0x3FAD] =	sst s2  }
0xb: {  	[smem:$0x3FAE] =	sst s3  }
0xc: {  	[smem:$0x3FAF] =	sst s4  }
0xd: {  	[smem:$0x3FB0] =	sst s5  }
0xe: {  	[smem:$0x3FB1] =	sst s6  }
0xf: {  	[smem:$0x3FB2] =	sst s7  }
0x10: {  	[smem:$0x3FB3] =	sst s8  }
0x11: {  	[smem:$0x3FB4] =	sst s9;
	s0 =	simm.s32 @!p0 $0x0  }
0x12: {  	s1 =	sld [smem:$0x3F9A];
	s0 =	simm.s32 @p0 $0x1  }
0x13: {  	[smem:$0x3FB5] =	sst s0;
	s0 =	simm.s32 @!p1 $0x0  }
0x14: {  	s2 =	sld [smem:$0x3F99];
	s0 =	simm.s32 @p1 $0x1  }
0x15: {  	[smem:$0x3FB6] =	sst s0;
	s0 =	simm.s32 @!p2 $0x0  }
0x16: {  	s3 =	sld [smem:$0x3FDB];
	s0 =	simm.s32 @p2 $0x1  }
0x17: {  	s4 =	simm.s32 $0x1BF5;
	[smem:$0x3FB8] =	sst s0  }
0x18: {  	s0 =	sld [smem:$0x3F9B];
	_ =	swait.ge [sflag:s4], $0x0  }
0x19: {  	s7 =	sld [smem:$0x3F9C]  }
0x1a: {  	s8 =	sadd.s32 $0xFFFFE003, lr  }
0x1b: {  	s9 =	sadd.s32 $0xFFFFFEF7, lr;
	s5 =	simm.s32 $0xFFFFFFFF;
	p2 =	slt.u32 s8, $0xFFFFF086  }
0x1c: {  	p1 =	slt.u32 s9, $0xF7A;
	s5 =	simm.s32 @!p2 $0x0  }
0x1d: {  	s5 =	simm.s32 @p1 $0x1;
	p0 =	seq.s32 s7, s2  }
0x1e: {  	s7 =	smul.u32 @!p0 $0xF7A, s2;
	p2 =	seq.s32 @!p0 s5, $0x0  }
0x1f: {  	s9 =	smul.u32 $0xF7A, s1;
	s8 =	simm.s32 @!p0 $0x1BF5;
	p2 =	por !p2, p0  }
0x20: {  	[sflag:s8] =	ssyncset.s32 @!p0 $0xFFFFF086;
	s6 =	sadd.s32 @!p0 s3, s7;
	s7 =	simm.s32 @!p0 $0x108  }
0x21: {  	s3 =	sadd.s32 s3, s9;
	s6 =	sadd.s32 @!p0 $0x88, s6;
	s7 =	simm.s32 @p2 $0x1082  }
0x22: {  	[simem:s7], [sflag:s8] =	dma.local @!p0 [hbm:s6], $0xF7A  }
0x23: {  	s9 =	sor.u32 $0xD0000000, s2;
	s6 =	simm.s32 $0x108;
	_ =	swait.ge @!p0 [sflag:s8], $0x0  }
0x24: {  	s3 =	sadd.s32 $0x88, s3;
	s6 =	simm.s32 @!p1 $0x1082;
	[sflag:s4] =	ssyncset.s32 $0xFFFFF086  }
0x25: {  	[simem:s6], [sflag:s4] =	dma.local [hbm:s3], $0xF7A  }
0x26: {  	[smem:$0x3F9C] =	sst s1;
	(tag) =	ssettag s2;
	_ =	strace s9  }
0x27: {  	s1 =	sld [smem:$0x3FAC]  }
0x28: {  	s2 =	sld [smem:$0x3FAD]  }
0x29: {  	s4 =	sld [smem:$0x3FAF]  }
0x2a: {  	p0 =	seq.s32 s5, $0x0;
	s5 =	sld [smem:$0x3FB0]  }
0x2b: {  	s6 =	sld [smem:$0x3FB1]  }
0x2c: {  	s7 =	sld [smem:$0x3FB2]  }
0x2d: {  	s3 =	simm.s32 $0x108;
	s8 =	sld [smem:$0x3FB3]  }
0x2e: {  	s3 =	simm.s32 @!p0 $0x1082;
	s9 =	sld [smem:$0x3FB4]  }
0x2f: {  	lr =	sadd.s32 s0, s3;
	s0 =	sld [smem:$0x3FAB]  }
0x30: {  	s3 =	sld [smem:$0x3FAE]  }
0x31: {  	[smem:$0x3FB7] =	sst s10  }
0x32: {  	s10 =	sld [smem:$0x3FB5];
	_ =	sdelay $0x3  }
0x33: {  	p0 =	seq.s32 s10, $0x1;
	s10 =	sld [smem:$0x3FB7];
	_ =	sdelay $0x3  }
0x34: {  	[smem:$0x3FB7] =	sst s10  }
0x35: {  	s10 =	sld [smem:$0x3FB6];
	_ =	sdelay $0x3  }
0x36: {  	p1 =	seq.s32 s10, $0x1;
	s10 =	sld [smem:$0x3FB7];
	_ =	sdelay $0x3  }
0x37: {  	[smem:$0x3FB7] =	sst s10  }
0x38: {  	s10 =	sld [smem:$0x3FB8]  }
0x39: {  	_ = 	snop;
	(pc) =	sbr.ind lr, $3  }
0x3a: {  	_ = 	snop  }
0x3b: {  	_ = 	snop  }
0x3c: {  	p2 =	seq.s32 s10, $0x1;
	s10 =	sld [smem:$0x3FB7]  }
0x3d: {  	_ =	shalt  }
0x3e: {  	_ =	shalt  }
0x3f: {  	_ =	shalt  }
0x40: {  	_ =	shalt  }
0x41: {  	_ =	shalt  }
0x42: {  	_ =	shalt  }
0x43: {  	_ =	shalt  }
0x44: {  	_ =	shalt  }
0x45: {  	_ =	shalt  }
0x46: {  	_ =	shalt  }
0x47: {  	_ =	shalt  }
0x48: {  	_ =	shalt  }
0x49: {  	_ =	shalt  }
0x4a: {  	_ =	shalt  }
0x4b: {  	_ =	shalt  }
0x4c: {  	_ =	shalt  }
0x4d: {  	_ =	shalt  }
0x4e: {  	_ =	shalt  }
0x4f: {  	_ =	shalt  }
0x50: {  	_ =	shalt  }
0x51: {  	_ =	shalt  }
0x52: {  	_ =	shalt  }
0x53: {  	_ =	shalt  }
0x54: {  	_ =	shalt  }
0x55: {  	_ =	shalt  }
0x56: {  	_ =	shalt  }
0x57: {  	_ =	shalt  }
0x58: {  	_ =	shalt  }
0x59: {  	_ =	shalt  }
0x5a: {  	_ =	shalt  }
0x5b: {  	_ =	shalt  }
0x5c: {  	_ =	shalt  }
0x5d: {  	_ =	shalt  }
0x5e: {  	_ =	shalt  }
0x5f: {  	_ =	shalt  }
0x60: {  	_ =	shalt  }
0x61: {  	_ =	shalt  }
0x62: {  	_ =	shalt  }
0x63: {  	_ =	shalt  }
0x64: {  	_ =	shalt  }
0x65: {  	_ =	shalt  }
0x66: {  	_ =	shalt  }
0x67: {  	_ =	shalt  }
0x68: {  	_ =	shalt  }
0x69: {  	_ =	shalt  }
0x6a: {  	_ =	shalt  }
0x6b: {  	_ =	shalt  }
0x6c: {  	_ =	shalt  }
0x6d: {  	_ =	shalt  }
0x6e: {  	_ =	shalt  }
0x6f: {  	_ =	shalt  }
0x70: {  	_ =	shalt  }
0x71: {  	_ =	shalt  }
0x72: {  	_ =	shalt  }
0x73: {  	_ =	shalt  }
0x74: {  	_ =	shalt  }
0x75: {  	_ =	shalt  }
0x76: {  	_ =	shalt  }
0x77: {  	_ =	shalt  }
0x78: {  	_ =	shalt  }
0x79: {  	_ =	shalt  }
0x7a: {  	_ =	shalt  }
0x7b: {  	_ =	shalt  }
0x7c: {  	_ =	shalt  }
0x7d: {  	_ =	shalt  }
0x7e: {  	_ =	shalt  }
0x7f: {  	_ =	shalt  }
0x80: {  	_ =	shalt  }
0x81: {  	_ =	shalt  }
0x82: {  	_ =	shalt  }
0x83: {  	_ =	shalt  }
0x84: {  	_ =	shalt  }
0x85: {  	_ =	shalt  }
0x86: {  	_ =	shalt  }
0x87: {  	_ =	shalt  }
.Lfunc_end0:
.L_simem_size_0:
called_computation_lowered:
.L_overlay_start_0:
0x88: {  	s2 =	sld [smem:$0x3FD9]  }
0x89: {  	s3 =	sld [smem:$0x3FFE];
	_ =	sdelay $0x1  }
0x8a: {  	s1 =	srdreg.scid  }
0x8b: {  	s0 =	sand.u32 $0x1, s1  }
0x8c: {  	s17 =	sshll.u32 s0, $0xA;
	s2 =	sadd.s32 s3, s2  }
0x8d: {  	s2 =	sadd.s32 s2, s17  }
0x8e: {  	[smem:$0x3FC3] =	sst s2  }
0x8f: {  	_ = 	snop  }
0x90: {  	s2 =	sld [smem:$0x3FD0];
	(tm) =	ssettm $0x1  }
0x91: {  	s18 =	sld [smem:$0x3FFB];
	_ =	sdelay $0x3  }
0x92: {  	_ =	strace s18  }
0x93: {  	s3 =	sld [smem:$0x3FFC];
	_ =	sdelay $0x3  }
0x94: {  	_ =	strace s3  }
0x95: {  	s3 =	sld [smem:$0x3FFD];
	_ =	sdelay $0x3  }
0x96: {  	_ =	strace s3  }
0x97: {  	_ =	strace $0x8FFFFFFF  }
0x98: {  	s19 =	sld [smem:$0x3FDB];
	_ =	sdelay $0x1  }
0x99: {  	s4 =	simm.s32 $_scs_section_size  }
0x9a: {  	s5 =	simm.s32 $_size__tile_overlayer_lowered;
	s6 =	simm.s32 $_tile_overlayer_lowered  }
0x9b: {  	s22 =	simm.s32 $0x1BFF;
	s21 =	sshll.u32 s6, $0x1;
	s3 =	sadd.s32 s4, s19  }
0x9c: {  	s7 =	simm.s32 $0x0;
	s20 =	sshll.u32 s5, $0x1;
	s5 =	sadd.s32 s21, s3  }
0x9d: {  	[timem:s7], [sflag:s22] =	dma.local [hbm:s5], s20  }
0x9e: {  	_ =	swait.ge [sflag:s22], s20  }
0x9f: {  	s4 =	ssub.s32 $0x0, s20;
	[sflag:s22] =	ssyncset.done $0x0  }
0xa0: {  	[sflag:s22] =	ssyncadd.s32 s4;
	_ =	sdelay $0x1  }
0xa1: {  	s23 =	simm.s32 $0x1B8B  }
0xa2: {  	_ =	swait.ge [sflag:s23], $0x1  }
0xa3: {  	[sflag:s23] =	ssyncset.done $0x0  }
0xa4: {  	s25 =	simm.s32 $0x1B8E;
	s24 =	sld [smem:$0x3FFE];
	[sflag:s23] =	ssyncadd.s32 $0xFFFFFFFF  }
0xa5: {  	s26 =	simm.s32 $execute0_lowered;
	[smem:$0x3FD2] =	sst s25  }
0xa6: {  	s5 =	sshll.u32 s26, $0x1;
	_ =	strace $0x80000046;
	[dreg:$0x1] =	wrdreg $0xFFFFFFFF  }
0xa7: {  	s28 =	simm.s32 $_size_execute0_lowered;
	s3 =	sadd.s32 s3, s5;
	[dreg:$0x0] =	wrdreg $0x0  }
0xa8: {  	s5 =	sshll.u32 s28, $0x1;
	[dreg:$0x2] =	wrdreg s3  }
0xa9: {  	[dreg:$0x3] =	wrdreg s5  }
0xaa: {  	[dreg:$0x4] =	wrdreg $0xC0  }
0xab: {  	_ =	task [dreg:s7], $0x5FFFF  }
0xac: {  	[dreg:$0x1] =	wrdreg $0xFFFFFFFF  }
0xad: {  	[dreg:$0x0] =	wrdreg $0x60  }
0xae: {  	[dreg:$0x2] =	wrdreg s24  }
0xaf: {  	[dreg:$0x3] =	wrdreg s2  }
0xb0: {  	[dreg:$0x4] =	wrdreg $0x2B000  }
0xb1: {  	[dreg:$0x5] =	wrdreg $0x9  }
0xb2: {  	_ =	task.clear_ibuf [dreg:s7], $0x6FFFF;
	_ =	strace $0x90000046  }
0xb3: {  	s29 =	simm.s32 $0x9;
	_ =	strace $0x80000048  }
0xb4: {  	_ =	swait.ge [sflag:s29], $0x1  }
0xb5: {  	[sflag:s29] =	ssyncadd.s32 $0xFFFFFFFF  }
0xb6: {  	_ =	strace $0x90000048  }
0xb7: {  	_ =	sfence  }
0xb8: {  	s30 =	sld [smem:$0x0];
	_ =	sdelay $0x2  }
0xb9: {  	s31 =	sshll.u32 s1, $0xD;
	s1 =	sshrl.u32 s1, $0x2  }
0xba: {  	s3 =	sand.u32 $0x4000, s31;
	s1 =	sadd.s32 s1, s30  }
0xbb: {  	s0 =	sor.u32 s3, s0;
	s1 =	sshll.u32 s1, $0x11  }
0xbc: {  	s0 =	sor.u32 s1, s0  }
0xbd: {  	s0 =	sadd.s32 $0x8F2B, s0  }
0xbe: {  	[sflag:s0] =	ssyncadd.remote.s32 $0x1  }
0xbf: {  	_ =	sfence.sel $0xFFFF  }
0xc0: {  	[dreg:$0x0] =	wrdreg $0xFFFFFFFF;
	(pc) =	sbr.abs _section_cstart, $3  }
0xc1: {  	[dreg:$0x1] =	wrdreg $0xFFFFFFFF  }
0xc2: {  	_ =	task.clear_ibuf [dreg:s7], $0x2FFFF;
	_ =	strace $0x9FFFFFFF  }
0xc3: {  	(tm) =	ssettm $0x7FFFFFFF  }
tec
execute0_lowered:
.L_overlay_start_1:
0x0: {  	(tag) =	ssettag $0x1  }
0x1: {  	s4 =	rddreg [dreg:$0x0]  }
0x2: {  	s0 =	srdreg.scid;
	s6 =	rddreg [dreg:$0x1]  }
0x3: {  	s2 =	rddreg [dreg:$0x2];
	s5 =	sand.u32 $0x1, s0  }
0x4: {  	s0 =	stileid.u32;
	s7 =	smul.u32 $0x5000, s5  }
0x5: {  	s1 =	rddreg [dreg:$0x3];
	s3 =	simm.s32 $0x0;
	s8 =	smul.u32 $0x500, s0  }
0x6: {  	s11 =	simm.s32 $0x7D;
	s12 =	simm.s32 $0x1;
	s9 =	smul.u32 $0x280, s0  }
0x7: {  	s15 =	simm.s32 $0x0;
	[smem:$0x7FF] =	sst s3;
	s10 =	smul.u32 $0x2800, s5  }
0x8: {  	_ =	strace $0x80000047;
	s5 =	ssub.s32 $0x2, s5;
	s13 =	sshll.u32 s0, $0x6  }
0x9: {  	s29 =	sshrl.u32 s5, $0x1;
	s13 =	sor.u32 $0x1C02, s13;
	s7 =	sadd.s32 s8, s7  }
0xa: {  	s30 =	sadd.s32 s9, s10;
	s31 =	ssub.s32 s5, s29;
	s10 =	simm.s32 $0x300  }
0xb: {  	s7 =	sadd.s32 s7, s4;
	s4 =	sadd.s32 s9, s2;
	s8 =	sshrl.u32 s30, $0x3  }
0xc: {  	s9 =	simm.s32 $0x2;
	s5 =	sadd.s32 $0x1800, s7;
	s6 =	sadd.s32 s6, s8  }
0xd: {  	v0 =	vimm.f32 $1.000000000e+00;
	v1 =	vimm.f32 $0.0e+00;
	s7 =	smax.u32 s31, $0x1;
	s8 =	simm.s32 $0x80;
	s14 =	sshrl.u32 s4, $0x3  }
.LBB2_1:
0xe: {  	[tilespmem:$0x0] =	vst v0  }
0xf: {  	[tilespmem:$0x10] =	vst v0  }
0x10: {  	[tilespmem:$0x20] =	vst v0  }
0x11: {  	[tilespmem:$0x30] =	vst v0  }
0x12: {  	[tilespmem:$0x40] =	vst v0  }
0x13: {  	[tilespmem:$0x50] =	vst v0  }
0x14: {  	[tilespmem:$0x60] =	vst v0  }
0x15: {  	[tilespmem:$0x70] =	vst v0  }
0x16: {  	[tilespmem:$0x80] =	vst v1  }
0x17: {  	[tilespmem:$0x90] =	vst v1  }
0x18: {  	[tilespmem:$0xA0] =	vst v1  }
0x19: {  	[tilespmem:$0xB0] =	vst v1  }
0x1a: {  	[tilespmem:$0xC0] =	vst v1  }
0x1b: {  	[tilespmem:$0xD0] =	vst v1  }
0x1c: {  	[tilespmem:$0xE0] =	vst v1  }
0x1d: {  	[tilespmem:$0xF0] =	vst v1  }
0x1e: {  	[tilespmem:$0x100] =	vst v1  }
0x1f: {  	[tilespmem:$0x110] =	vst v1  }
0x20: {  	[tilespmem:$0x120] =	vst v1  }
0x21: {  	[tilespmem:$0x130] =	vst v1  }
0x22: {  	[tilespmem:$0x140] =	vst v1  }
0x23: {  	[tilespmem:$0x150] =	vst v1  }
0x24: {  	[tilespmem:$0x160] =	vst v1  }
0x25: {  	[tilespmem:$0x170] =	vst v1  }
0x26: {  	[tilespmem:$0x180] =	vst v1  }
0x27: {  	[tilespmem:$0x190] =	vst v1  }
0x28: {  	[tilespmem:$0x1A0] =	vst v1  }
0x29: {  	[tilespmem:$0x1B0] =	vst v1  }
0x2a: {  	[tilespmem:$0x1C0] =	vst v1  }
0x2b: {  	[tilespmem:$0x1D0] =	vst v1  }
0x2c: {  	[tilespmem:$0x1E0] =	vst v1  }
0x2d: {  	[tilespmem:$0x1F0] =	vst v1  }
0x2e: {  	[tilespmem:$0x200] =	vst v1  }
0x2f: {  	[tilespmem:$0x210] =	vst v1  }
0x30: {  	[tilespmem:$0x220] =	vst v1  }
0x31: {  	[tilespmem:$0x230] =	vst v1  }
0x32: {  	[tilespmem:$0x240] =	vst v1  }
0x33: {  	[tilespmem:$0x250] =	vst v1  }
0x34: {  	[tilespmem:$0x260] =	vst v1  }
0x35: {  	[tilespmem:$0x270] =	vst v1  }
0x36: {  	[tilespmem:$0x280] =	vst v1  }
0x37: {  	[tilespmem:$0x290] =	vst v1  }
0x38: {  	[tilespmem:$0x2A0] =	vst v1  }
0x39: {  	[tilespmem:$0x2B0] =	vst v1  }
0x3a: {  	[tilespmem:$0x2C0] =	vst v1  }
0x3b: {  	[tilespmem:$0x2D0] =	vst v1  }
0x3c: {  	[tilespmem:$0x2E0] =	vst v1  }
0x3d: {  	[tilespmem:$0x2F0] =	vst v1  }
0x3e: {  	[spmem:s4] =	stream.linear.scatter [tilespmem:s8], [sflag:$0x2], $0x280, $0x38;
	[tilespmem:$0x2D80] =	vst v63  }
0x3f: {  	_ =	swait.ge [sflag:s9], $0x280  }
0x40: {  	[sflag:s9] =	ssyncset.done $0x0  }
0x41: {  	[sflag:s9] =	ssyncadd.s32 $0xFFFFFD80  }
0x42: {  	[tilespmem:s10], [sflag:$0x2] =	stream.linear.gather [hbm4b:s5+s3], $0x2800, $0x38;
	[tilespmem:$0x2D80] =	vst v63  }
0x43: {  	_ =	swait.ge [sflag:s9], $0x2800  }
0x44: {  	[sflag:s9] =	ssyncset.done $0x0  }
0x45: {  	[sflag:s9] =	ssyncadd.s32 $0xFFFFD800  }
0x46: {  	s16 =	simm.s32 $0x0;
	[bflag:$0x0] =	sbarrier.arrive $0xFFFF  }
.LBB2_2:
0x47: {  	p0 =	sne.s32 s16, $0x9E00  }
.Ltmp0:
0x48: {  	_ = 	snop;
	(pc) =	sbr.rel @p0 .LBB2_2-.Ltmp0, $4  }
0x49: {  	_ = 	snop  }
0x4a: {  	s17 =	sshra.s32 s16, $0x2  }
0x4b: {  	s16 =	sadd.s32 $0x200, s16;
	s17 =	sadd.s32 $0x300, s17  }
0x4c: {  	[spmem:s2] =	stream.indirect.scatter.add.f32 [tilespmem:s3], [sflag:$0x1], $0x1, s17, s11, $0xb8;
	[tilespmem:$0x2D80] =	vst v63  }
0x4d: {  	_ =	swait.ge [sflag:s12], $0x7D  }
0x4e: {  	s16 =	simm.s32 $0x4F;
	[sflag:s12] =	ssyncset.done $0x0  }
.LBB2_4:
0x4f: {  	p0 =	sne.s32 s16, $0x1;
	s16 =	sadd.s32 $0xFFFFFFFF, s16;
	[sflag:s12] =	ssyncadd.s32 $0xFFFFFF83  }
.Ltmp1:
0x50: {  	(pc) =	sbr.rel @p0 .LBB2_4-.Ltmp1, $3  }
0x51: {  	_ =	sdelay $0x1  }
0x52: {  	_ =	swait.ge [sflag:s12], $0x7D  }
0x53: {  	[sflag:s12] =	ssyncset.done $0x0  }
0x54: {  	s15 =	sadd.s32 $0x1, s15  }
0x55: {  	[sflag:s12] =	ssyncadd.s32 $0xFFFFFF83;
	p0 =	sne.s32 s15, s7  }
.Ltmp2:
0x56: {  	[bflag:$0x0] =	sbarrier.arrive $0xFFFF;
	(pc) =	sbr.rel @p0 .LBB2_1-.Ltmp2, $4  }
0x57: {  	[hbm:s6], [sflag:s13] =	dma.local [spmem:s14], $0x50  }
0x58: {  	_ =	swait.ge [sflag:s9], $0x50  }
0x59: {  	[sflag:s9] =	ssyncset.done $0x0  }
0x5a: {  	[sflag:s9] =	ssyncadd.s32 $0xFFFFFFB0  }
0x5b: {  	_ =	sfence.sel $0x180000  }
0x5c: {  	[bflag:$0x0] =	sbarrier.arrive $0xFFFF  }
0x5d: {  	p0 =	sne.s32 s0, $0x0;
	_ =	strace $0x90000047  }
0x5e: {  	s0 =	sadd.s32 @!p0 $0x100000, s1;
	[bflag:$0x2] =	sbarrier.arrive $0xFFFF  }
0x5f: {  	[sflag:s0] =	ssyncadd.tile.s32 @!p0 $0x1;
	_ =	shalt  }
.Lfunc_end2:
_tile_overlayer_lowered:
.L_overlay_start_2:
0x60: {  	(tag) =	ssettag $0x2  }
0x61: {  	s0 =	rddreg [dreg:$0x0];
	s2 =	stileid.u32  }
0x62: {  	s1 =	rddreg [dreg:$0x1];
	p0 =	sne.s32 s2, $0x0  }
0x63: {  	s3 =	rddreg [dreg:$0x2];
	[bflag:$0x3] =	sbarrier.arrive $0xFFFF;
	s2 =	simm.s32 @!p0 $0x1C02  }
0x64: {  	[timem:s3], [sflag:s2] =	dma.local @!p0 [hbm:s0], s1  }
0x65: {  	s0 =	simm.s32 @!p0 $0x2  }
0x66: {  	_ =	swait.ge @!p0 [sflag:s0], s1  }
0x67: {  	s1 =	ssub.s32 @!p0 $0x0, s1;
	[sflag:s0] =	ssyncset.done @!p0 $0x0  }
0x68: {  	[sflag:s0] =	ssyncadd.s32 @!p0 s1  }
0x69: {  	[bflag:$0x3] =	sbarrier.arrive $0xFFFF  }
0x6a: {  	_ =	shalt  }

// kernel: kernel.9.cloned.1.call-start
scs
__scs_entry_jumppad:
0x0: {  	(pc) =	sbr.rel $0x88, $3  }
0x1: {  	(tag) =	ssettag $0x0;
	lr =	simm.s32 $0x1  }
0x2: {  	[smem:$0x3F9C] =	sst lr;
	_ =	strace $0xD0000000  }
0x3: {  	_ = 	snop  }
0x4: {  	_ = 	snop  }
0x5: {  	_ = 	snop  }
0x6: {  	_ = 	snop  }
0x7: {  	_ = 	snop  }
__scs_overlays_trampoline_lowered:
0x8: {  	[smem:$0x3FAB] =	sst s0  }
0x9: {  	[smem:$0x3FAC] =	sst s1  }
0xa: {  	[smem:$0x3FAD] =	sst s2  }
0xb: {  	[smem:$0x3FAE] =	sst s3  }
0xc: {  	[smem:$0x3FAF] =	sst s4  }
0xd: {  	[smem:$0x3FB0] =	sst s5  }
0xe: {  	[smem:$0x3FB1] =	sst s6  }
0xf: {  	[smem:$0x3FB2] =	sst s7  }
0x10: {  	[smem:$0x3FB3] =	sst s8  }
0x11: {  	[smem:$0x3FB4] =	sst s9;
	s0 =	simm.s32 @!p0 $0x0  }
0x12: {  	s1 =	sld [smem:$0x3F9A];
	s0 =	simm.s32 @p0 $0x1  }
0x13: {  	[smem:$0x3FB5] =	sst s0;
	s0 =	simm.s32 @!p1 $0x0  }
0x14: {  	s2 =	sld [smem:$0x3F99];
	s0 =	simm.s32 @p1 $0x1  }
0x15: {  	[smem:$0x3FB6] =	sst s0;
	s0 =	simm.s32 @!p2 $0x0  }
0x16: {  	s3 =	sld [smem:$0x3FDB];
	s0 =	simm.s32 @p2 $0x1  }
0x17: {  	s4 =	simm.s32 $0x1BF5;
	[smem:$0x3FB8] =	sst s0  }
0x18: {  	s0 =	sld [smem:$0x3F9B];
	_ =	swait.ge [sflag:s4], $0x0  }
0x19: {  	s7 =	sld [smem:$0x3F9C]  }
0x1a: {  	s8 =	sadd.s32 $0xFFFFE003, lr  }
0x1b: {  	s9 =	sadd.s32 $0xFFFFFEF7, lr;
	s5 =	simm.s32 $0xFFFFFFFF;
	p2 =	slt.u32 s8, $0xFFFFF086  }
0x1c: {  	p1 =	slt.u32 s9, $0xF7A;
	s5 =	simm.s32 @!p2 $0x0  }
0x1d: {  	s5 =	simm.s32 @p1 $0x1;
	p0 =	seq.s32 s7, s2  }
0x1e: {  	s7 =	smul.u32 @!p0 $0xF7A, s2;
	p2 =	seq.s32 @!p0 s5, $0x0  }
0x1f: {  	s9 =	smul.u32 $0xF7A, s1;
	s8 =	simm.s32 @!p0 $0x1BF5;
	p2 =	por !p2, p0  }
0x20: {  	[sflag:s8] =	ssyncset.s32 @!p0 $0xFFFFF086;
	s6 =	sadd.s32 @!p0 s3, s7;
	s7 =	simm.s32 @!p0 $0x108  }
0x21: {  	s3 =	sadd.s32 s3, s9;
	s6 =	sadd.s32 @!p0 $0x88, s6;
	s7 =	simm.s32 @p2 $0x1082  }
0x22: {  	[simem:s7], [sflag:s8] =	dma.local @!p0 [hbm:s6], $0xF7A  }
0x23: {  	s9 =	sor.u32 $0xD0000000, s2;
	s6 =	simm.s32 $0x108;
	_ =	swait.ge @!p0 [sflag:s8], $0x0  }
0x24: {  	s3 =	sadd.s32 $0x88, s3;
	s6 =	simm.s32 @!p1 $0x1082;
	[sflag:s4] =	ssyncset.s32 $0xFFFFF086  }
0x25: {  	[simem:s6], [sflag:s4] =	dma.local [hbm:s3], $0xF7A  }
0x26: {  	[smem:$0x3F9C] =	sst s1;
	(tag) =	ssettag s2;
	_ =	strace s9  }
0x27: {  	s1 =	sld [smem:$0x3FAC]  }
0x28: {  	s2 =	sld [smem:$0x3FAD]  }
0x29: {  	s4 =	sld [smem:$0x3FAF]  }
0x2a: {  	p0 =	seq.s32 s5, $0x0;
	s5 =	sld [smem:$0x3FB0]  }
0x2b: {  	s6 =	sld [smem:$0x3FB1]  }
0x2c: {  	s7 =	sld [smem:$0x3FB2]  }
0x2d: {  	s3 =	simm.s32 $0x108;
	s8 =	sld [smem:$0x3FB3]  }
0x2e: {  	s3 =	simm.s32 @!p0 $0x1082;
	s9 =	sld [smem:$0x3FB4]  }
0x2f: {  	lr =	sadd.s32 s0, s3;
	s0 =	sld [smem:$0x3FAB]  }
0x30: {  	s3 =	sld [smem:$0x3FAE]  }
0x31: {  	[smem:$0x3FB7] =	sst s10  }
0x32: {  	s10 =	sld [smem:$0x3FB5];
	_ =	sdelay $0x3  }
0x33: {  	p0 =	seq.s32 s10, $0x1;
	s10 =	sld [smem:$0x3FB7];
	_ =	sdelay $0x3  }
0x34: {  	[smem:$0x3FB7] =	sst s10  }
0x35: {  	s10 =	sld [smem:$0x3FB6];
	_ =	sdelay $0x3  }
0x36: {  	p1 =	seq.s32 s10, $0x1;
	s10 =	sld [smem:$0x3FB7];
	_ =	sdelay $0x3  }
0x37: {  	[smem:$0x3FB7] =	sst s10  }
0x38: {  	s10 =	sld [smem:$0x3FB8]  }
0x39: {  	_ = 	snop;
	(pc) =	sbr.ind lr, $3  }
0x3a: {  	_ = 	snop  }
0x3b: {  	_ = 	snop  }
0x3c: {  	p2 =	seq.s32 s10, $0x1;
	s10 =	sld [smem:$0x3FB7]  }
0x3d: {  	_ =	shalt  }
0x3e: {  	_ =	shalt  }
0x3f: {  	_ =	shalt  }
0x40: {  	_ =	shalt  }
0x41: {  	_ =	shalt  }
0x42: {  	_ =	shalt  }
0x43: {  	_ =	shalt  }
0x44: {  	_ =	shalt  }
0x45: {  	_ =	shalt  }
0x46: {  	_ =	shalt  }
0x47: {  	_ =	shalt  }
0x48: {  	_ =	shalt  }
0x49: {  	_ =	shalt  }
0x4a: {  	_ =	shalt  }
0x4b: {  	_ =	shalt  }
0x4c: {  	_ =	shalt  }
0x4d: {  	_ =	shalt  }
0x4e: {  	_ =	shalt  }
0x4f: {  	_ =	shalt  }
0x50: {  	_ =	shalt  }
0x51: {  	_ =	shalt  }
0x52: {  	_ =	shalt  }
0x53: {  	_ =	shalt  }
0x54: {  	_ =	shalt  }
0x55: {  	_ =	shalt  }
0x56: {  	_ =	shalt  }
0x57: {  	_ =	shalt  }
0x58: {  	_ =	shalt  }
0x59: {  	_ =	shalt  }
0x5a: {  	_ =	shalt  }
0x5b: {  	_ =	shalt  }
0x5c: {  	_ =	shalt  }
0x5d: {  	_ =	shalt  }
0x5e: {  	_ =	shalt  }
0x5f: {  	_ =	shalt  }
0x60: {  	_ =	shalt  }
0x61: {  	_ =	shalt  }
0x62: {  	_ =	shalt  }
0x63: {  	_ =	shalt  }
0x64: {  	_ =	shalt  }
0x65: {  	_ =	shalt  }
0x66: {  	_ =	shalt  }
0x67: {  	_ =	shalt  }
0x68: {  	_ =	shalt  }
0x69: {  	_ =	shalt  }
0x6a: {  	_ =	shalt  }
0x6b: {  	_ =	shalt  }
0x6c: {  	_ =	shalt  }
0x6d: {  	_ =	shalt  }
0x6e: {  	_ =	shalt  }
0x6f: {  	_ =	shalt  }
0x70: {  	_ =	shalt  }
0x71: {  	_ =	shalt  }
0x72: {  	_ =	shalt  }
0x73: {  	_ =	shalt  }
0x74: {  	_ =	shalt  }
0x75: {  	_ =	shalt  }
0x76: {  	_ =	shalt  }
0x77: {  	_ =	shalt  }
0x78: {  	_ =	shalt  }
0x79: {  	_ =	shalt  }
0x7a: {  	_ =	shalt  }
0x7b: {  	_ =	shalt  }
0x7c: {  	_ =	shalt  }
0x7d: {  	_ =	shalt  }
0x7e: {  	_ =	shalt  }
0x7f: {  	_ =	shalt  }
0x80: {  	_ =	shalt  }
0x81: {  	_ =	shalt  }
0x82: {  	_ =	shalt  }
0x83: {  	_ =	shalt  }
0x84: {  	_ =	shalt  }
0x85: {  	_ =	shalt  }
0x86: {  	_ =	shalt  }
0x87: {  	_ =	shalt  }
.Lfunc_end0:
.L_simem_size_0:
called_computation.1_lowered:
.L_overlay_start_0:
0x88: {  	s2 =	sld [smem:$0x3FD9]  }
0x89: {  	s3 =	sld [smem:$0x3FFE];
	_ =	sdelay $0x1  }
0x8a: {  	s1 =	srdreg.scid  }
0x8b: {  	s0 =	sand.u32 $0x1, s1  }
0x8c: {  	s17 =	sshll.u32 s0, $0xA;
	s2 =	sadd.s32 s3, s2  }
0x8d: {  	s2 =	sadd.s32 s2, s17  }
0x8e: {  	[smem:$0x3FC3] =	sst s2  }
0x8f: {  	_ = 	snop  }
0x90: {  	s2 =	sld [smem:$0x3FD0];
	(tm) =	ssettm $0x1  }
0x91: {  	s18 =	sld [smem:$0x3FFB];
	_ =	sdelay $0x3  }
0x92: {  	_ =	strace s18  }
0x93: {  	s3 =	sld [smem:$0x3FFC];
	_ =	sdelay $0x3  }
0x94: {  	_ =	strace s3  }
0x95: {  	s3 =	sld [smem:$0x3FFD];
	_ =	sdelay $0x3  }
0x96: {  	_ =	strace s3  }
0x97: {  	_ =	strace $0x8FFFFFFF  }
0x98: {  	s19 =	sld [smem:$0x3FDB];
	_ =	sdelay $0x1  }
0x99: {  	s4 =	simm.s32 $_scs_section_size  }
0x9a: {  	s5 =	simm.s32 $_size__tile_overlayer_lowered;
	s6 =	simm.s32 $_tile_overlayer_lowered  }
0x9b: {  	s22 =	simm.s32 $0x1BFF;
	s21 =	sshll.u32 s6, $0x1;
	s3 =	sadd.s32 s4, s19  }
0x9c: {  	s7 =	simm.s32 $0x0;
	s20 =	sshll.u32 s5, $0x1;
	s5 =	sadd.s32 s21, s3  }
0x9d: {  	[timem:s7], [sflag:s22] =	dma.local [hbm:s5], s20  }
0x9e: {  	_ =	swait.ge [sflag:s22], s20  }
0x9f: {  	s4 =	ssub.s32 $0x0, s20;
	[sflag:s22] =	ssyncset.done $0x0  }
0xa0: {  	[sflag:s22] =	ssyncadd.s32 s4;
	_ =	sdelay $0x1  }
0xa1: {  	s23 =	simm.s32 $0x1B8B  }
0xa2: {  	_ =	swait.ge [sflag:s23], $0x1  }
0xa3: {  	[sflag:s23] =	ssyncset.done $0x0  }
0xa4: {  	s25 =	simm.s32 $0x1B8E;
	s24 =	sld [smem:$0x3FFE];
	[sflag:s23] =	ssyncadd.s32 $0xFFFFFFFF  }
0xa5: {  	s26 =	simm.s32 $execute0_lowered;
	[smem:$0x3FD2] =	sst s25  }
0xa6: {  	s5 =	sshll.u32 s26, $0x1;
	_ =	strace $0x80000049;
	[dreg:$0x1] =	wrdreg $0xFFFFFFFF  }
0xa7: {  	s28 =	simm.s32 $_size_execute0_lowered;
	s3 =	sadd.s32 s3, s5;
	[dreg:$0x0] =	wrdreg $0x0  }
0xa8: {  	s5 =	sshll.u32 s28, $0x1;
	[dreg:$0x2] =	wrdreg s3  }
0xa9: {  	[dreg:$0x3] =	wrdreg s5  }
0xaa: {  	[dreg:$0x4] =	wrdreg $0xC0  }
0xab: {  	_ =	task [dreg:s7], $0x5FFFF  }
0xac: {  	[dreg:$0x1] =	wrdreg $0xFFFFFFFF  }
0xad: {  	[dreg:$0x0] =	wrdreg $0x60  }
0xae: {  	[dreg:$0x2] =	wrdreg s2  }
0xaf: {  	[dreg:$0x3] =	wrdreg s24  }
0xb0: {  	[dreg:$0x4] =	wrdreg $0xA8000  }
0xb1: {  	[dreg:$0x5] =	wrdreg $0x9  }
0xb2: {  	_ =	task.clear_ibuf [dreg:s7], $0x6FFFF;
	_ =	strace $0x90000049  }
0xb3: {  	s29 =	simm.s32 $0x9;
	_ =	strace $0x8000004B  }
0xb4: {  	_ =	swait.ge [sflag:s29], $0x1  }
0xb5: {  	[sflag:s29] =	ssyncadd.s32 $0xFFFFFFFF  }
0xb6: {  	_ =	strace $0x9000004B  }
0xb7: {  	_ =	sfence  }
0xb8: {  	s30 =	sld [smem:$0x0];
	_ =	sdelay $0x2  }
0xb9: {  	s31 =	sshll.u32 s1, $0xD;
	s1 =	sshrl.u32 s1, $0x2  }
0xba: {  	s3 =	sand.u32 $0x4000, s31;
	s1 =	sadd.s32 s1, s30  }
0xbb: {  	s0 =	sor.u32 s3, s0;
	s1 =	sshll.u32 s1, $0x11  }
0xbc: {  	s0 =	sor.u32 s1, s0  }
0xbd: {  	s0 =	sadd.s32 $0x8F2B, s0  }
0xbe: {  	[sflag:s0] =	ssyncadd.remote.s32 $0x1  }
0xbf: {  	_ =	sfence.sel $0xFFFF  }
0xc0: {  	[dreg:$0x0] =	wrdreg $0xFFFFFFFF;
	(pc) =	sbr.abs _section_cstart, $3  }
0xc1: {  	[dreg:$0x1] =	wrdreg $0xFFFFFFFF  }
0xc2: {  	_ =	task.clear_ibuf [dreg:s7], $0x2FFFF;
	_ =	strace $0x9FFFFFFF  }
0xc3: {  	(tm) =	ssettm $0x7FFFFFFF  }
tec
execute0_lowered:
.L_overlay_start_1:
0x0: {  	(tag) =	ssettag $0x1  }
0x1: {  	s0 =	rddreg [dreg:$0x0]  }
0x2: {  	s1 =	rddreg [dreg:$0x1]  }
0x3: {  	s2 =	srdreg.scid;
	s8 =	stileid.u32  }
0x4: {  	s3 =	rddreg [dreg:$0x2];
	s6 =	smul.u32 $0x50, s8  }
0x5: {  	s4 =	simm.s32 $0x0;
	s28 =	simm.s32 $0x6800;
	s21 =	smul.u32 $0x2800, s8  }
0x6: {  	s29 =	simm.s32 $0x1380;
	s2 =	sand.u32 $0x1, s2;
	s8 =	smul.u32 $0x50000, s8  }
0x7: {  	s30 =	simm.s32 $0x2700;
	s31 =	simm.s32 $0x2780;
	s5 =	smul.u32 $0x500, s2  }
0x8: {  	[smem:$0x7FF] =	sst s4;
	s7 =	smul.u32 $0x28000, s2;
	s2 =	ssub.s32 $0x2, s2  }
0x9: {  	_ =	strace $0x8000004A;
	s22 =	sshrl.u32 s2, $0x1;
	s23 =	sshrl.u32 s8, $0x2  }
0xa: {  	s5 =	sadd.s32 s6, s5;
	s6 =	sadd.s32 s21, s7;
	s2 =	ssub.s32 s2, s22  }
0xb: {  	s7 =	sadd.s32 s23, s3;
	s21 =	simm.s32 $0x1400;
	s22 =	simm.s32 $0x2800  }
0xc: {  	s23 =	simm.s32 $0x3;
	s5 =	sshll.u32 s5, $0x4;
	s11 =	smax.u32 s2, $0x1  }
0xd: {  	s12 =	sadd.s32 $0x2000, s7;
	s13 =	sadd.s32 $0x4000, s7;
	s14 =	sadd.s32 $0x6000, s7  }
0xe: {  	s15 =	sadd.s32 $0x8000, s7;
	s16 =	sadd.s32 $0xA000, s7;
	s5 =	sadd.s32 s5, s1  }
0xf: {  	s17 =	sadd.s32 $0xC000, s7;
	s18 =	sadd.s32 $0xE000, s7;
	s24 =	sadd.s32 $0x1800, s5  }
0x10: {  	s19 =	sadd.s32 $0x10000, s7;
	s25 =	sadd.s32 $0xB800, s5;
	[dreg:$0x4] =	wrdreg s24  }
0x11: {  	s20 =	sadd.s32 $0x12000, s7;
	s26 =	sadd.s32 $0x1A80, s5;
	[dreg:$0x5] =	wrdreg s25  }
0x12: {  	s1 =	sadd.s32 s6, s1;
	s5 =	sadd.s32 $0xBA80, s5;
	[dreg:$0x6] =	wrdreg s26  }
0x13: {  	s10 =	sadd.s32 $0x15800, s1;
	s1 =	simm.s32 $0x0;
	[dreg:$0x7] =	wrdreg s5  }
0x14: {  	v0 =	vimm.f32 $0.0e+00;
	s24 =	simm.s32 $0x1;
	s25 =	simm.s32 $0x2;
	s26 =	simm.s32 $0x7D  }
.LBB2_1:
0x15: {  	s2 =	rddreg [dreg:$0x4];
	s9 =	sand.u32 $0x7E00, s4  }
0x16: {  	[tilespmem:s4], [sflag:$0x1] =	stream.linear.gather [hbm4b:s2+s4], $0x1400, $0x38;
	[tilespmem:$0x1E800] =	vst v63  }
0x17: {  	s8 =	rddreg [dreg:$0x5];
	s5 =	sand.u32 $0x70, s4;
	s6 =	sshrl.u32 s9, $0x2  }
0x18: {  	s2 =	simm.s32 $0x40;
	s6 =	sor.u32 s5, s6;
	s5 =	simm.s32 $0x0  }
0x19: {  	[tilespmem:s21], [sflag:$0x2] =	stream.linear.gather [hbm4b:s8+s4], $0x1400, $0x38;
	[tilespmem:$0x1E800] =	vst v63  }
.LBB2_2:
0x1a: {  	p0 =	sne.s32 s2, $0x7FC0  }
0x1b: {  	[tilespmem:s6+$0x2800] =	vst v0;
	s5 =	sadd.s32 $0x10, s5;
	s6 =	smov.u32 s2;
	s2 =	sadd.s32 $0x40, s2  }
.Ltmp0:
0x1c: {  	(pc) =	sbr.rel @p0 .LBB2_2-.Ltmp0, $4  }
0x1d: {  	_ = 	snop  }
0x1e: {  	s6 =	sand.u32 $0x7E00, s6  }
0x1f: {  	s8 =	sand.u32 $0x70, s5;
	s6 =	sshrl.u32 s6, $0x2  }
0x20: {  	s6 =	sor.u32 s8, s6  }
0x21: {  	[tilespmem:s6+$0x2800] =	vst v0  }
0x22: {  	[spmem:s7] =	stream.linear.scatter [tilespmem:s22], [sflag:$0x3], $0x2000, $0x38;
	[tilespmem:$0x1E800] =	vst v63  }
0x23: {  	_ =	swait.ge [sflag:s23], $0x2000  }
0x24: {  	[sflag:s23] =	ssyncset.done $0x0  }
0x25: {  	[sflag:s23] =	ssyncadd.s32 $0xFFFFE000  }
0x26: {  	[spmem:s12] =	stream.linear.scatter [tilespmem:s22], [sflag:$0x3], $0x2000, $0x38;
	[tilespmem:$0x1E800] =	vst v63  }
0x27: {  	_ =	swait.ge [sflag:s23], $0x2000  }
0x28: {  	[sflag:s23] =	ssyncset.done $0x0  }
0x29: {  	[sflag:s23] =	ssyncadd.s32 $0xFFFFE000  }
0x2a: {  	[spmem:s13] =	stream.linear.scatter [tilespmem:s22], [sflag:$0x3], $0x2000, $0x38;
	[tilespmem:$0x1E800] =	vst v63  }
0x2b: {  	_ =	swait.ge [sflag:s23], $0x2000  }
0x2c: {  	[sflag:s23] =	ssyncset.done $0x0  }
0x2d: {  	[sflag:s23] =	ssyncadd.s32 $0xFFFFE000  }
0x2e: {  	[spmem:s14] =	stream.linear.scatter [tilespmem:s22], [sflag:$0x3], $0x2000, $0x38;
	[tilespmem:$0x1E800] =	vst v63  }
0x2f: {  	_ =	swait.ge [sflag:s23], $0x2000  }
0x30: {  	[sflag:s23] =	ssyncset.done $0x0  }
0x31: {  	[sflag:s23] =	ssyncadd.s32 $0xFFFFE000  }
0x32: {  	[spmem:s15] =	stream.linear.scatter [tilespmem:s22], [sflag:$0x3], $0x2000, $0x38;
	[tilespmem:$0x1E800] =	vst v63  }
0x33: {  	_ =	swait.ge [sflag:s23], $0x2000  }
0x34: {  	[sflag:s23] =	ssyncset.done $0x0  }
0x35: {  	[sflag:s23] =	ssyncadd.s32 $0xFFFFE000  }
0x36: {  	[spmem:s16] =	stream.linear.scatter [tilespmem:s22], [sflag:$0x3], $0x2000, $0x38;
	[tilespmem:$0x1E800] =	vst v63  }
0x37: {  	_ =	swait.ge [sflag:s23], $0x2000  }
0x38: {  	[sflag:s23] =	ssyncset.done $0x0  }
0x39: {  	[sflag:s23] =	ssyncadd.s32 $0xFFFFE000  }
0x3a: {  	[spmem:s17] =	stream.linear.scatter [tilespmem:s22], [sflag:$0x3], $0x2000, $0x38;
	[tilespmem:$0x1E800] =	vst v63  }
0x3b: {  	_ =	swait.ge [sflag:s23], $0x2000  }
0x3c: {  	[sflag:s23] =	ssyncset.done $0x0  }
0x3d: {  	[sflag:s23] =	ssyncadd.s32 $0xFFFFE000  }
0x3e: {  	[spmem:s18] =	stream.linear.scatter [tilespmem:s22], [sflag:$0x3], $0x2000, $0x38;
	[tilespmem:$0x1E800] =	vst v63  }
0x3f: {  	_ =	swait.ge [sflag:s23], $0x2000  }
0x40: {  	[sflag:s23] =	ssyncset.done $0x0  }
0x41: {  	[sflag:s23] =	ssyncadd.s32 $0xFFFFE000  }
0x42: {  	[spmem:s19] =	stream.linear.scatter [tilespmem:s22], [sflag:$0x3], $0x2000, $0x38;
	[tilespmem:$0x1E800] =	vst v63  }
0x43: {  	_ =	swait.ge [sflag:s23], $0x2000  }
0x44: {  	[sflag:s23] =	ssyncset.done $0x0  }
0x45: {  	[sflag:s23] =	ssyncadd.s32 $0xFFFFE000  }
0x46: {  	[spmem:s20] =	stream.linear.scatter [tilespmem:s22], [sflag:$0x3], $0x2000, $0x38;
	[tilespmem:$0x1E800] =	vst v63  }
0x47: {  	_ =	swait.ge [sflag:s23], $0x2000  }
0x48: {  	[sflag:s23] =	ssyncset.done $0x0  }
0x49: {  	[sflag:s23] =	ssyncadd.s32 $0xFFFFE000  }
0x4a: {  	[bflag:$0x0] =	sbarrier.arrive $0xFFFF  }
0x4b: {  	_ =	swait.ge [sflag:s24], $0x1400  }
0x4c: {  	[sflag:s24] =	ssyncset.done $0x0  }
0x4d: {  	[sflag:s24] =	ssyncadd.s32 $0xFFFFEC00  }
0x4e: {  	_ =	swait.ge [sflag:s25], $0x1400  }
0x4f: {  	[sflag:s25] =	ssyncset.done $0x0  }
0x50: {  	s2 =	simm.s32 $0x0;
	[sflag:s25] =	ssyncadd.s32 $0xFFFFEC00  }
0x51: {  	[tilespmem:s22], [sflag:$0x1] =	stream.indirect.gather [hbm4b:s0+s26], $0x80, s2, s26, $0xb8;
	[tilespmem:$0x1E800] =	vst v63  }
0x52: {  	s5 =	simm.s32 $0x80  }
0x53: {  	[tilespmem:s28], [sflag:$0x2] =	stream.indirect.gather [hbm4b:s0+s26], $0x80, s5, s26, $0xb8;
	[tilespmem:$0x1E800] =	vst v63  }
0x54: {  	_ =	swait.ge [sflag:s24], $0x3E80  }
0x55: {  	[sflag:s24] =	ssyncset.done $0x0  }
0x56: {  	s6 =	simm.s32 $0x1400;
	[sflag:s24] =	ssyncadd.s32 $0xFFFFC180  }
0x57: {  	[spmem:s3] =	stream.indirect.scatter.add.f32 [tilespmem:s22], [sflag:$0x3], $0x80, s6, s26, $0xb8;
	[tilespmem:$0x1E800] =	vst v63  }
0x58: {  	_ =	swait.ge [sflag:s23], $0x3E80  }
0x59: {  	[sflag:s23] =	ssyncset.done $0x0  }
0x5a: {  	s8 =	simm.s32 $0x100;
	[sflag:s23] =	ssyncadd.s32 $0xFFFFC180  }
0x5b: {  	[tilespmem:s22], [sflag:$0x1] =	stream.indirect.gather [hbm4b:s0+s26], $0x80, s8, s26, $0xb8;
	[tilespmem:$0x1E800] =	vst v63  }
0x5c: {  	_ =	swait.ge [sflag:s25], $0x3E80  }
0x5d: {  	[sflag:s25] =	ssyncset.done $0x0  }
0x5e: {  	s9 =	simm.s32 $0x1480;
	[sflag:s25] =	ssyncadd.s32 $0xFFFFC180  }
0x5f: {  	[spmem:s3] =	stream.indirect.scatter.add.f32 [tilespmem:s28], [sflag:$0x3], $0x80, s9, s26, $0xb8;
	[tilespmem:$0x1E800] =	vst v63  }
0x60: {  	_ =	swait.ge [sflag:s23], $0x3E80  }
0x61: {  	s2 =	simm.s32 $0x100;
	s5 =	simm.s32 $0x800;
	[sflag:s23] =	ssyncset.done $0x0  }
.LBB2_4:
0x62: {  	s6 =	sadd.s32 $0x80, s2  }
0x63: {  	[sflag:s23] =	ssyncadd.s32 $0xFFFFC180;
	s8 =	smov.u32 s5;
	s9 =	sadd.s32 $0x400, s5  }
0x64: {  	[tilespmem:s28], [sflag:$0x2] =	stream.indirect.gather [hbm4b:s0+s26], $0x80, s6, s26, $0xb8;
	[tilespmem:$0x1E800] =	vst v63  }
0x65: {  	p0 =	sne.s32 s5, $0x4800;
	_ =	swait.ge [sflag:s24], $0x3E80  }
0x66: {  	[sflag:s24] =	ssyncset.done $0x0  }
0x67: {  	s5 =	sadd.s32 $0x1400, s2;
	[sflag:s24] =	ssyncadd.s32 $0xFFFFC180  }
0x68: {  	[spmem:s3] =	stream.indirect.scatter.add.f32 [tilespmem:s22], [sflag:$0x3], $0x80, s5, s26, $0xb8;
	[tilespmem:$0x1E800] =	vst v63  }
0x69: {  	_ =	swait.ge [sflag:s23], $0x3E80  }
0x6a: {  	[sflag:s23] =	ssyncset.done $0x0  }
0x6b: {  	s5 =	sadd.s32 $0x100, s2;
	[sflag:s23] =	ssyncadd.s32 $0xFFFFC180  }
0x6c: {  	[tilespmem:s22], [sflag:$0x1] =	stream.indirect.gather [hbm4b:s0+s26], $0x80, s5, s26, $0xb8;
	[tilespmem:$0x1E800] =	vst v63  }
0x6d: {  	_ =	swait.ge [sflag:s25], $0x3E80  }
.Ltmp1:
0x6e: {  	[sflag:s25] =	ssyncset.done $0x0;
	(pc) =	sbr.rel @p0 .LBB2_4-.Ltmp1, $4  }
0x6f: {  	s2 =	sadd.s32 $0x1480, s2;
	[sflag:s25] =	ssyncadd.s32 $0xFFFFC180  }
0x70: {  	[spmem:s3] =	stream.indirect.scatter.add.f32 [tilespmem:s28], [sflag:$0x3], $0x80, s2, s26, $0xb8;
	[tilespmem:$0x1E800] =	vst v63  }
0x71: {  	_ =	swait.ge [sflag:s23], $0x3E80  }
0x72: {  	s5 =	smov.u32 s9;
	s2 =	sshra.s32 s8, $0x2;
	[sflag:s23] =	ssyncset.done $0x0  }
0x73: {  	s5 =	sadd.s32 $0x80, s2;
	[sflag:s23] =	ssyncadd.s32 $0xFFFFC180  }
0x74: {  	[tilespmem:s28], [sflag:$0x2] =	stream.indirect.gather [hbm4b:s0+s26], $0x80, s5, s26, $0xb8;
	[tilespmem:$0x1E800] =	vst v63  }
0x75: {  	_ =	swait.ge [sflag:s24], $0x3E80  }
0x76: {  	[sflag:s24] =	ssyncset.done $0x0  }
0x77: {  	s8 =	sadd.s32 $0x1400, s2;
	[sflag:s24] =	ssyncadd.s32 $0xFFFFC180  }
0x78: {  	[spmem:s3] =	stream.indirect.scatter.add.f32 [tilespmem:s22], [sflag:$0x3], $0x80, s8, s26, $0xb8;
	[tilespmem:$0x1E800] =	vst v63  }
0x79: {  	_ =	swait.ge [sflag:s23], $0x3E80  }
0x7a: {  	[sflag:s23] =	ssyncset.done $0x0  }
0x7b: {  	s9 =	sadd.s32 $0x100, s2;
	[sflag:s23] =	ssyncadd.s32 $0xFFFFC180  }
0x7c: {  	[tilespmem:s22], [sflag:$0x1] =	stream.indirect.gather [hbm4b:s0+s26], $0x80, s9, s26, $0xb8;
	[tilespmem:$0x1E800] =	vst v63  }
0x7d: {  	_ =	swait.ge [sflag:s25], $0x3E80  }
0x7e: {  	[sflag:s25] =	ssyncset.done $0x0  }
0x7f: {  	s5 =	sadd.s32 $0x1480, s2;
	[sflag:s25] =	ssyncadd.s32 $0xFFFFC180  }
0x80: {  	[spmem:s3] =	stream.indirect.scatter.add.f32 [tilespmem:s28], [sflag:$0x3], $0x80, s5, s26, $0xb8;
	[tilespmem:$0x1E800] =	vst v63  }
0x81: {  	_ =	swait.ge [sflag:s23], $0x3E80  }
0x82: {  	[sflag:s23] =	ssyncset.done $0x0  }
0x83: {  	[sflag:s23] =	ssyncadd.s32 $0xFFFFC180  }
0x84: {  	[tilespmem:s28], [sflag:$0x2] =	stream.indirect.gather [hbm4b:s0+s26], $0x80, s29, s26, $0xb8;
	[tilespmem:$0x1E800] =	vst v63  }
0x85: {  	_ =	swait.ge [sflag:s24], $0x3E80  }
0x86: {  	[sflag:s24] =	ssyncset.done $0x0  }
0x87: {  	[sflag:s24] =	ssyncadd.s32 $0xFFFFC180  }
0x88: {  	[spmem:s3] =	stream.indirect.scatter.add.f32 [tilespmem:s22], [sflag:$0x3], $0x80, s30, s26, $0xb8;
	[tilespmem:$0x1E800] =	vst v63  }
0x89: {  	_ =	swait.ge [sflag:s23], $0x3E80  }
0x8a: {  	[sflag:s23] =	ssyncset.done $0x0  }
0x8b: {  	[sflag:s23] =	ssyncadd.s32 $0xFFFFC180  }
0x8c: {  	_ =	swait.ge [sflag:s25], $0x3E80  }
0x8d: {  	[sflag:s25] =	ssyncset.done $0x0  }
0x8e: {  	[sflag:s25] =	ssyncadd.s32 $0xFFFFC180  }
0x8f: {  	[spmem:s3] =	stream.indirect.scatter.add.f32 [tilespmem:s28], [sflag:$0x3], $0x80, s31, s26, $0xb8;
	[tilespmem:$0x1E800] =	vst v63  }
0x90: {  	_ =	swait.ge [sflag:s23], $0x3E80  }
0x91: {  	[sflag:s23] =	ssyncset.done $0x0  }
0x92: {  	s6 =	simm.s32 $0x0;
	s8 =	rddreg [dreg:$0x6];
	[sflag:s23] =	ssyncadd.s32 $0xFFFFC180  }
0x93: {  	[tilespmem:s6], [sflag:$0x3] =	stream.linear.gather [hbm4b:s8+s6], $0x1400, $0x38;
	[tilespmem:$0x1E800] =	vst v63  }
0x94: {  	_ =	swait.ge [sflag:s23], $0x1400  }
0x95: {  	[sflag:s23] =	ssyncset.done $0x0  }
0x96: {  	s9 =	rddreg [dreg:$0x7];
	[sflag:s23] =	ssyncadd.s32 $0xFFFFEC00  }
0x97: {  	[tilespmem:s21], [sflag:$0x3] =	stream.linear.gather [hbm4b:s9+s6], $0x1400, $0x38;
	[tilespmem:$0x1E800] =	vst v63  }
0x98: {  	_ =	swait.ge [sflag:s23], $0x1400  }
0x99: {  	[sflag:s23] =	ssyncset.done $0x0  }
0x9a: {  	[sflag:s23] =	ssyncadd.s32 $0xFFFFEC00  }
0x9b: {  	[tilespmem:s22], [sflag:$0x1] =	stream.indirect.gather [hbm4b:s0+s26], $0x80, s6, s26, $0xb8;
	[tilespmem:$0x1E800] =	vst v63  }
0x9c: {  	s5 =	simm.s32 $0x80  }
0x9d: {  	[tilespmem:s28], [sflag:$0x2] =	stream.indirect.gather [hbm4b:s0+s26], $0x80, s5, s26, $0xb8;
	[tilespmem:$0x1E800] =	vst v63  }
0x9e: {  	_ =	swait.ge [sflag:s24], $0x3E80  }
0x9f: {  	[sflag:s24] =	ssyncset.done $0x0  }
0xa0: {  	s6 =	simm.s32 $0x1400;
	[sflag:s24] =	ssyncadd.s32 $0xFFFFC180  }
0xa1: {  	[spmem:s3] =	stream.indirect.scatter.add.f32 [tilespmem:s22], [sflag:$0x3], $0x80, s6, s26, $0xb8;
	[tilespmem:$0x1E800] =	vst v63  }
0xa2: {  	_ =	swait.ge [sflag:s23], $0x3E80  }
0xa3: {  	[sflag:s23] =	ssyncset.done $0x0  }
0xa4: {  	s8 =	simm.s32 $0x100;
	[sflag:s23] =	ssyncadd.s32 $0xFFFFC180  }
0xa5: {  	[tilespmem:s22], [sflag:$0x1] =	stream.indirect.gather [hbm4b:s0+s26], $0x80, s8, s26, $0xb8;
	[tilespmem:$0x1E800] =	vst v63  }
0xa6: {  	_ =	swait.ge [sflag:s25], $0x3E80  }
0xa7: {  	[sflag:s25] =	ssyncset.done $0x0  }
0xa8: {  	s9 =	simm.s32 $0x1480;
	[sflag:s25] =	ssyncadd.s32 $0xFFFFC180  }
0xa9: {  	[spmem:s3] =	stream.indirect.scatter.add.f32 [tilespmem:s28], [sflag:$0x3], $0x80, s9, s26, $0xb8;
	[tilespmem:$0x1E800] =	vst v63  }
0xaa: {  	_ =	swait.ge [sflag:s23], $0x3E80  }
0xab: {  	s2 =	simm.s32 $0x100;
	s5 =	simm.s32 $0x800;
	[sflag:s23] =	ssyncset.done $0x0  }
.LBB2_6:
0xac: {  	s6 =	sadd.s32 $0x80, s2  }
0xad: {  	[sflag:s23] =	ssyncadd.s32 $0xFFFFC180;
	s8 =	smov.u32 s5;
	s9 =	sadd.s32 $0x400, s5  }
0xae: {  	[tilespmem:s28], [sflag:$0x2] =	stream.indirect.gather [hbm4b:s0+s26], $0x80, s6, s26, $0xb8;
	[tilespmem:$0x1E800] =	vst v63  }
0xaf: {  	p0 =	sne.s32 s5, $0x4800;
	_ =	swait.ge [sflag:s24], $0x3E80  }
0xb0: {  	[sflag:s24] =	ssyncset.done $0x0  }
0xb1: {  	s5 =	sadd.s32 $0x1400, s2;
	[sflag:s24] =	ssyncadd.s32 $0xFFFFC180  }
0xb2: {  	[spmem:s3] =	stream.indirect.scatter.add.f32 [tilespmem:s22], [sflag:$0x3], $0x80, s5, s26, $0xb8;
	[tilespmem:$0x1E800] =	vst v63  }
0xb3: {  	_ =	swait.ge [sflag:s23], $0x3E80  }
0xb4: {  	[sflag:s23] =	ssyncset.done $0x0  }
0xb5: {  	s5 =	sadd.s32 $0x100, s2;
	[sflag:s23] =	ssyncadd.s32 $0xFFFFC180  }
0xb6: {  	[tilespmem:s22], [sflag:$0x1] =	stream.indirect.gather [hbm4b:s0+s26], $0x80, s5, s26, $0xb8;
	[tilespmem:$0x1E800] =	vst v63  }
0xb7: {  	_ =	swait.ge [sflag:s25], $0x3E80  }
.Ltmp2:
0xb8: {  	[sflag:s25] =	ssyncset.done $0x0;
	(pc) =	sbr.rel @p0 .LBB2_6-.Ltmp2, $4  }
0xb9: {  	s2 =	sadd.s32 $0x1480, s2;
	[sflag:s25] =	ssyncadd.s32 $0xFFFFC180  }
0xba: {  	[spmem:s3] =	stream.indirect.scatter.add.f32 [tilespmem:s28], [sflag:$0x3], $0x80, s2, s26, $0xb8;
	[tilespmem:$0x1E800] =	vst v63  }
0xbb: {  	_ =	swait.ge [sflag:s23], $0x3E80  }
0xbc: {  	s5 =	smov.u32 s9;
	s2 =	sshra.s32 s8, $0x2;
	[sflag:s23] =	ssyncset.done $0x0  }
0xbd: {  	s5 =	sadd.s32 $0x80, s2;
	[sflag:s23] =	ssyncadd.s32 $0xFFFFC180  }
0xbe: {  	[tilespmem:s28], [sflag:$0x2] =	stream.indirect.gather [hbm4b:s0+s26], $0x80, s5, s26, $0xb8;
	[tilespmem:$0x1E800] =	vst v63  }
0xbf: {  	_ =	swait.ge [sflag:s24], $0x3E80  }
0xc0: {  	[sflag:s24] =	ssyncset.done $0x0  }
0xc1: {  	s8 =	sadd.s32 $0x1400, s2;
	[sflag:s24] =	ssyncadd.s32 $0xFFFFC180  }
0xc2: {  	[spmem:s3] =	stream.indirect.scatter.add.f32 [tilespmem:s22], [sflag:$0x3], $0x80, s8, s26, $0xb8;
	[tilespmem:$0x1E800] =	vst v63  }
0xc3: {  	_ =	swait.ge [sflag:s23], $0x3E80  }
0xc4: {  	[sflag:s23] =	ssyncset.done $0x0  }
0xc5: {  	s9 =	sadd.s32 $0x100, s2;
	[sflag:s23] =	ssyncadd.s32 $0xFFFFC180  }
0xc6: {  	[tilespmem:s22], [sflag:$0x1] =	stream.indirect.gather [hbm4b:s0+s26], $0x80, s9, s26, $0xb8;
	[tilespmem:$0x1E800] =	vst v63  }
0xc7: {  	_ =	swait.ge [sflag:s25], $0x3E80  }
0xc8: {  	[sflag:s25] =	ssyncset.done $0x0  }
0xc9: {  	s6 =	sadd.s32 $0x1480, s2;
	[sflag:s25] =	ssyncadd.s32 $0xFFFFC180  }
0xca: {  	[spmem:s3] =	stream.indirect.scatter.add.f32 [tilespmem:s28], [sflag:$0x3], $0x80, s6, s26, $0xb8;
	[tilespmem:$0x1E800] =	vst v63  }
0xcb: {  	_ =	swait.ge [sflag:s23], $0x3E80  }
0xcc: {  	[sflag:s23] =	ssyncset.done $0x0  }
0xcd: {  	[sflag:s23] =	ssyncadd.s32 $0xFFFFC180  }
0xce: {  	[tilespmem:s28], [sflag:$0x2] =	stream.indirect.gather [hbm4b:s0+s26], $0x80, s29, s26, $0xb8;
	[tilespmem:$0x1E800] =	vst v63  }
0xcf: {  	_ =	swait.ge [sflag:s24], $0x3E80  }
0xd0: {  	[sflag:s24] =	ssyncset.done $0x0  }
0xd1: {  	[sflag:s24] =	ssyncadd.s32 $0xFFFFC180  }
0xd2: {  	[spmem:s3] =	stream.indirect.scatter.add.f32 [tilespmem:s22], [sflag:$0x3], $0x80, s30, s26, $0xb8;
	[tilespmem:$0x1E800] =	vst v63  }
0xd3: {  	_ =	swait.ge [sflag:s23], $0x3E80  }
0xd4: {  	[sflag:s23] =	ssyncset.done $0x0  }
0xd5: {  	[sflag:s23] =	ssyncadd.s32 $0xFFFFC180  }
0xd6: {  	_ =	swait.ge [sflag:s25], $0x3E80  }
0xd7: {  	[sflag:s25] =	ssyncset.done $0x0  }
0xd8: {  	[sflag:s25] =	ssyncadd.s32 $0xFFFFC180  }
0xd9: {  	[spmem:s3] =	stream.indirect.scatter.add.f32 [tilespmem:s28], [sflag:$0x3], $0x80, s31, s26, $0xb8;
	[tilespmem:$0x1E800] =	vst v63  }
0xda: {  	s8 =	stileid.u32;
	_ =	swait.ge [sflag:s23], $0x3E80  }
0xdb: {  	s1 =	sadd.s32 $0x1, s1;
	s2 =	sshll.u32 s8, $0x6;
	[sflag:s23] =	ssyncset.done $0x0  }
0xdc: {  	p0 =	sne.s32 s1, s11;
	s2 =	sor.u32 $0x1C03, s2;
	[sflag:s23] =	ssyncadd.s32 $0xFFFFC180  }
.Ltmp3:
0xdd: {  	s9 =	sshrl.u32 s7, $0x3;
	[bflag:$0x0] =	sbarrier.arrive $0xFFFF;
	(pc) =	sbr.rel @p0 .LBB2_1-.Ltmp3, $4  }
0xde: {  	[hbm:s10], [sflag:s2] =	dma.local [spmem:s9], $0x2800  }
0xdf: {  	_ =	swait.ge [sflag:s23], $0x2800  }
0xe0: {  	[sflag:s23] =	ssyncset.done $0x0  }
0xe1: {  	[sflag:s23] =	ssyncadd.s32 $0xFFFFD800  }
0xe2: {  	_ =	sfence.sel $0x180000  }
0xe3: {  	[bflag:$0x0] =	sbarrier.arrive $0xFFFF  }
0xe4: {  	_ =	strace $0x9000004A  }
0xe5: {  	s0 =	stileid.u32;
	[bflag:$0x2] =	sbarrier.arrive $0xFFFF  }
0xe6: {  	p0 =	sne.s32 s0, $0x0;
	s0 =	rddreg [dreg:$0x3]  }
0xe7: {  	s0 =	sadd.s32 @!p0 $0x100000, s0  }
0xe8: {  	[sflag:s0] =	ssyncadd.tile.s32 @!p0 $0x1;
	_ =	shalt  }
.Lfunc_end2:
_tile_overlayer_lowered:
.L_overlay_start_2:
0xe9: {  	(tag) =	ssettag $0x2  }
0xea: {  	s0 =	rddreg [dreg:$0x0];
	s2 =	stileid.u32  }
0xeb: {  	s1 =	rddreg [dreg:$0x1];
	p0 =	sne.s32 s2, $0x0  }
0xec: {  	s3 =	rddreg [dreg:$0x2];
	[bflag:$0x3] =	sbarrier.arrive $0xFFFF;
	s2 =	simm.s32 @!p0 $0x1C03  }
0xed: {  	[timem:s3], [sflag:s2] =	dma.local @!p0 [hbm:s0], s1  }
0xee: {  	s0 =	simm.s32 @!p0 $0x3  }
0xef: {  	_ =	swait.ge @!p0 [sflag:s0], s1  }
0xf0: {  	s1 =	ssub.s32 @!p0 $0x0, s1;
	[sflag:s0] =	ssyncset.done @!p0 $0x0  }
0xf1: {  	[sflag:s0] =	ssyncadd.s32 @!p0 s1  }
0xf2: {  	[bflag:$0x3] =	sbarrier.arrive $0xFFFF  }
0xf3: {  	_ =	shalt  }

</sc_bundles>
